<compile_context>
chip_gen: v7x
topology: tpu7x:2x2x1
jax: 0.10.2.dev20260603
libtpu: 0.0.44.dev20260713+nightly
codegen_flags: <defaults>
</compile_context>

<pallas_src>
import functools

import jax
import jax.numpy as jnp
from jax import lax
from jax.experimental import pallas as pl
from jax.experimental.pallas import tpu as pltpu
from jax.experimental.pallas import tpu_sc as plsc

NQ = 1024
N_REPS = 100000
N_CENTERS = 1000
TILE = 2048
N_TILES = 49
REPS_PAD = N_TILES * TILE
SLOT = 256
SPT = TILE // SLOT
N_SLOTS = N_TILES * SPT
N_CAND = 5 * NQ
NEG = -1e30
_FIRST_PAD_SLOT = (N_REPS - (N_TILES - 1) * TILE) // SLOT

NC, NS = 2, 16
NW = NC * NS
BPW = N_CAND // NW


def _rownorm_scale(x, eps2=1e-24):
    n2 = jnp.sum(x * x, axis=1, keepdims=True)
    return x * lax.rsqrt(jnp.maximum(n2, eps2))


def _bank_kernel(feat_ref, reps_ref, tail_ref, table_ref, smax_ref, sum_ref,
                 nf_ref, acc_ref):
    i = pl.program_id(0)

    @pl.when(i == 0)
    def _init():
        nf_ref[...] = _rownorm_scale(feat_ref[...])
        acc_ref[...] = jnp.zeros_like(acc_ref)

    nf = nf_ref[...]
    raw = jnp.where(i == N_TILES - 1, tail_ref[...], reps_ref[...])
    n2 = jnp.sum(raw * raw, axis=0, keepdims=True)
    reps = raw * lax.rsqrt(jnp.maximum(n2, 1e-24))
    sims = lax.dot_general(nf, reps, (((1,), (0,)), ((), ())),
                           preferred_element_type=jnp.float32)

    acc = acc_ref[...]
    for s in range(SPT):
        acc += sims[:, s * SLOT:(s + 1) * SLOT]
    acc_ref[...] = acc

    maxes = []
    for s in range(SPT):
        sl = sims[:, s * SLOT:(s + 1) * SLOT]
        table_ref[pl.ds(s * NQ, NQ), :] = sl
        maxes.append(jnp.max(sl, axis=1, keepdims=True))
    smax_ref[...] = jnp.concatenate(maxes, axis=1).T

    @pl.when(i == N_TILES - 1)
    def _fix_tail_and_emit_sum():
        lane_io = lax.broadcasted_iota(jnp.int32, (1, SLOT), 1)
        pmaxes = list(maxes)
        for s in range(_FIRST_PAD_SLOT, SPT):
            base = (N_TILES - 1) * TILE + s * SLOT
            pen = jnp.where(lane_io + base >= N_REPS, NEG, 0.0)
            sl = sims[:, s * SLOT:(s + 1) * SLOT] + pen
            table_ref[pl.ds(s * NQ, NQ), :] = sl
            pmaxes[s] = jnp.max(sl, axis=1, keepdims=True)
        smax_ref[...] = jnp.concatenate(pmaxes, axis=1).T
        sum_ref[...] = jnp.sum(acc_ref[...], axis=1, keepdims=True)


def _slotsel_kernel(smax_ref, idx_ref):
    x = smax_ref[...]
    w = x.shape[0]
    io = lax.broadcasted_iota(jnp.int32, (w, NQ), 0)
    qio = lax.broadcasted_iota(jnp.int32, (1, NQ), 1)
    for k in range(5):
        m = jnp.max(x, axis=0, keepdims=True)
        first = jnp.min(jnp.where(x == m, io, w), axis=0, keepdims=True)
        x = jnp.where(io == first, NEG, x)
        idx_ref[k:k + 1, :] = first * NQ + qio
    idx_ref[5:8, :] = jnp.zeros((3, NQ), jnp.int32)


@functools.cache
def _make_gather_kernel():
    mesh = plsc.VectorSubcoreMesh(core_axis_name="c", subcore_axis_name="s",
                                  num_cores=NC, num_subcores=NS)

    @functools.partial(
        pl.kernel,
        mesh=mesh,
        out_type=jax.ShapeDtypeStruct((N_CAND, SLOT), jnp.float32),
        scratch_types=[
            pltpu.VMEM((BPW,), jnp.int32),
            pltpu.VMEM((BPW, SLOT), jnp.float32),
            pltpu.SemaphoreType.DMA,
        ],
    )
    def _gather_kernel(table_hbm, idx_hbm, out_hbm, idx_v, rows_v, sem):
        wid = lax.axis_index("s") * NC + lax.axis_index("c")
        base = wid * BPW
        pltpu.sync_copy(idx_hbm.at[pl.ds(base, BPW)], idx_v)
        pltpu.async_copy(table_hbm.at[idx_v], rows_v, sem).wait()
        pltpu.sync_copy(rows_v, out_hbm.at[pl.ds(base, BPW)])

    return _gather_kernel


def _final_kernel(feat_ref, cent_ref, cand_ref, sum_ref, w1_ref, b1_ref,
                  w2_ref, b2_ref, stats_ref, scores_ref):
    feats = feat_ref[...]
    nf = _rownorm_scale(feats)

    cents = _rownorm_scale(cent_ref[...])
    csims = lax.dot_general(nf, cents, (((1,), (1,)), ((), ())),
                            preferred_element_type=jnp.float32)
    cio = lax.broadcasted_iota(jnp.int32, csims.shape, 1)
    max_center = jnp.max(jnp.where(cio < N_CENTERS, csims, NEG),
                         axis=1, keepdims=True)
    mean_center = jnp.sum(csims, axis=1, keepdims=True) / N_CENTERS

    x = jnp.concatenate([cand_ref[pl.ds(k * NQ, NQ), :] for k in range(5)],
                        axis=1)
    w = x.shape[1]
    io = lax.broadcasted_iota(jnp.int32, (NQ, w), 1)
    tops = []
    for _ in range(5):
        m = jnp.max(x, axis=1, keepdims=True)
        first = jnp.min(jnp.where(x == m, io, w), axis=1, keepdims=True)
        x = jnp.where(io == first, NEG, x)
        tops.append(m)
    rep_max = tops[0]
    rep_mean = (tops[0] + tops[1] + tops[2] + tops[3] + tops[4]) * 0.2
    rep_gmean = sum_ref[...] / N_REPS
    feat_norm = jnp.sqrt(jnp.sum(feats * feats, axis=1, keepdims=True))

    zero = jnp.zeros_like(rep_max)
    stats8 = jnp.concatenate(
        [max_center, mean_center, rep_max, rep_mean, rep_gmean,
         feat_norm, zero, zero], axis=1)

    base = (max_center + mean_center + rep_max + rep_mean) * 0.25
    h = jnp.maximum(
        lax.dot_general(stats8, w1_ref[...], (((1,), (0,)), ((), ())),
                        preferred_element_type=jnp.float32) + b1_ref[...],
        0.0)
    calib = lax.dot_general(h, w2_ref[...], (((1,), (0,)), ((), ())),
                            preferred_element_type=jnp.float32) + b2_ref[...]
    stats_ref[...] = stats8[:, 0:6]
    scores_ref[...] = base + calib


@jax.jit
def kernel(features, class_centers, representatives, W1, b1, W2, b2):
    feats = features.astype(jnp.float32)
    reps_t = representatives.T
    tail = jnp.pad(reps_t[:, (N_TILES - 1) * TILE:],
                   ((0, 0), (0, REPS_PAD - N_REPS)))
    cents = jnp.pad(class_centers, ((0, 1024 - N_CENTERS), (0, 0)))
    w1 = jnp.pad(W1, ((0, 2), (0, 0)))
    b1r = b1.reshape(1, 16)
    b2r = b2.reshape(1, 1)

    table, smax, rsum = pl.pallas_call(
        _bank_kernel,
        grid=(N_TILES,),
        in_specs=[
            pl.BlockSpec((NQ, 32), lambda i: (0, 0)),
            pl.BlockSpec((32, TILE), lambda i: (0, i)),
            pl.BlockSpec((32, TILE), lambda i: (0, 0)),
        ],
        out_specs=[
            pl.BlockSpec((SPT * NQ, SLOT), lambda i: (i, 0)),
            pl.BlockSpec((SPT, NQ), lambda i: (i, 0)),
            pl.BlockSpec((NQ, 1), lambda i: (0, 0)),
        ],
        out_shape=[
            jax.ShapeDtypeStruct((N_SLOTS * NQ, SLOT), jnp.float32),
            jax.ShapeDtypeStruct((N_SLOTS, NQ), jnp.float32),
            jax.ShapeDtypeStruct((NQ, 1), jnp.float32),
        ],
        scratch_shapes=[
            pltpu.VMEM((NQ, 32), jnp.float32),
            pltpu.VMEM((NQ, SLOT), jnp.float32),
        ],
    )(feats, reps_t, tail)

    idx8 = pl.pallas_call(
        _slotsel_kernel,
        in_specs=[pl.BlockSpec((N_SLOTS, NQ), lambda: (0, 0))],
        out_specs=pl.BlockSpec((8, NQ), lambda: (0, 0)),
        out_shape=jax.ShapeDtypeStruct((8, NQ), jnp.int32),
    )(smax)

    idx_flat = idx8[:5].reshape(N_CAND)
    cand = _make_gather_kernel()(table, idx_flat)

    stats, scores = pl.pallas_call(
        _final_kernel,
        in_specs=[
            pl.BlockSpec((NQ, 32), lambda: (0, 0)),
            pl.BlockSpec((1024, 32), lambda: (0, 0)),
            pl.BlockSpec((N_CAND, SLOT), lambda: (0, 0)),
            pl.BlockSpec((NQ, 1), lambda: (0, 0)),
            pl.BlockSpec((8, 16), lambda: (0, 0)),
            pl.BlockSpec((1, 16), lambda: (0, 0)),
            pl.BlockSpec((16, 1), lambda: (0, 0)),
            pl.BlockSpec((1, 1), lambda: (0, 0)),
        ],
        out_specs=[
            pl.BlockSpec((NQ, 6), lambda: (0, 0)),
            pl.BlockSpec((NQ, 1), lambda: (0, 0)),
        ],
        out_shape=[
            jax.ShapeDtypeStruct((NQ, 6), jnp.float32),
            jax.ShapeDtypeStruct((NQ, 1), jnp.float32),
        ],
    )(feats, cents, cand, rsum, w1, b1r, W2, b2r)

    return stats, scores[:, 0]

# --- scband reference (transcript-rebuilt; emitter-appended) ---
"""Pipeline reference for scband-task-ooddetector-20220706029686 (READ-ONLY COPY).

The authoritative reference and input builder live on the scoring server;
editing this copy changes nothing except your own understanding.
"""

import jax, jax.numpy as jnp
import numpy as np


def _normalize(x):
    n = jnp.clip(jnp.linalg.norm(x, axis=-1, keepdims=True), 1e-12, None)
    return x / n


def setup_inputs(seed: int = 0) -> dict:
    key = jax.random.key(seed)
    k1, k2, k3, k4, k5 = jax.random.split(key, 5)
    features = jax.random.normal(k1, (1024, 32), dtype=jnp.float32)
    # feature banks (torch registered buffers, populated via set_feature_bank)
    class_centers = jax.random.normal(k2, (1000, 32), dtype=jnp.float32)
    representatives = jax.random.normal(k3, (100000, 32), dtype=jnp.float32)
    # calibrator MLP params (nn.Linear(6,16) -> ReLU -> nn.Linear(16,1)); jax convention y = x @ W + b
    W1 = jax.random.normal(k4, (6, 16), dtype=jnp.float32) * 0.1
    b1 = jnp.zeros((16,), dtype=jnp.float32)
    W2 = jax.random.normal(k5, (16, 1), dtype=jnp.float32) * 0.1
    b2 = jnp.zeros((1,), dtype=jnp.float32)
    return {"features": features, "class_centers": class_centers, "representatives": representatives,
            "W1": W1, "b1": b1, "W2": W2, "b2": b2}


def reference(features, class_centers, representatives, W1, b1, W2, b2):
    topk = 5
    # set_feature_bank normalizes banks on registration
    centers = _normalize(class_centers)
    reps = _normalize(representatives)
    features = features.astype(jnp.float32)
    nf = _normalize(features)
    # center stats
    center_sims = nf @ centers.T
    max_center = jnp.max(center_sims, axis=1)
    mean_center = jnp.mean(center_sims, axis=1)
    # representative (kNN) stats
    rep_sims = nf @ reps.T
    k = min(topk, rep_sims.shape[1])
    topk_sims, _ = jax.lax.top_k(rep_sims, k)
    rep_max = topk_sims[:, 0]
    rep_mean = jnp.mean(topk_sims, axis=1)
    rep_global_mean = jnp.mean(rep_sims, axis=1)
    feat_norm = jnp.linalg.norm(features, axis=1)
    stats = jnp.stack([max_center, mean_center, rep_max, rep_mean, rep_global_mean, feat_norm], axis=1)
    # score_from_stats
    base_score = jnp.mean(stats[:, :4], axis=1)
    h = jnp.maximum(stats @ W1 + b1, 0.0)
    calib = (h @ W2 + b2)[:, 0]
    scores = base_score + calib
    return stats, scores

if __name__ == "__main__":
    import jax
    _d = setup_inputs()
    print(jax.jit(kernel)(*tuple(_d.values())))

</pallas_src>

<mosaic_0001>
#map = affine_map<(d0, d1) -> (0, 0)>
#map1 = affine_map<(d0, d1) -> (0)>
module attributes {stable_mosaic.version = 14 : i64} {
  func.func @_gather_kernel(%arg0: i32, %arg1: i32, %arg2: memref<401408x256xf32, #tpu.memory_space<hbm>>, %arg3: memref<5120xi32, #tpu.memory_space<hbm>>, %arg4: memref<5120x256xf32, #tpu.memory_space<hbm>>, %arg5: memref<160xi32, #tpu.memory_space<vmem>>, %arg6: memref<160x256xf32, #tpu.memory_space<vmem>>, %arg7: memref<!tpu.dma_semaphore, #tpu.memory_space<semaphore_mem>>) attributes {dimension_semantics = [#tpu.dimension_semantics<core_parallel>, #tpu.dimension_semantics<subcore_parallel>], iteration_bounds = array<i64: 2, 16>, scalar_prefetch = 0 : i64, scratch_operands = 3 : i64, tpu.core_type = #tpu.core_type<sc_vector_subcore>, window_params = [{transform_indices = #map}, {transform_indices = #map1}, {transform_indices = #map}]} {
    %mul3A = arith.constant 2 : i32
    %mul3A_0 = arith.muli %arg1, %mul3A : i32
    %add3A = arith.addi %mul3A_0, %arg0 : i32
    %mul3A_1 = arith.constant 160 : i32
    %mul3A_2 = arith.muli %add3A, %mul3A_1 : i32
    "tpu.region"() ({
      %run_scoped3A = tpu.sem_alloc : memref<!tpu.dma_semaphore, #tpu.memory_space<semaphore_mem>>
      %dma_start3A_7 = tpu.memref_slice %arg3[%mul3A_2] : memref<5120xi32, #tpu.memory_space<hbm>> -> memref<160xi32, #tpu.memory_space<hbm>>
      %dma_start3A_8 = tpu.memref_slice %arg3[%mul3A_2] : memref<5120xi32, #tpu.memory_space<hbm>> -> memref<160xi32, #tpu.memory_space<hbm>>
      tpu.enqueue_dma source(%dma_start3A_8 : memref<160xi32, #tpu.memory_space<hbm>>) target(%arg5 : memref<160xi32, #tpu.memory_space<vmem>>) target_semaphore(%run_scoped3A : memref<!tpu.dma_semaphore, #tpu.memory_space<semaphore_mem>>)
      %dma_wait3A_9 = tpu.memref_slice %arg3[%mul3A_2] : memref<5120xi32, #tpu.memory_space<hbm>> -> memref<160xi32, #tpu.memory_space<hbm>>
      %dma_wait3A_10 = tpu.memref_slice %arg3[%mul3A_2] : memref<5120xi32, #tpu.memory_space<hbm>> -> memref<160xi32, #tpu.memory_space<hbm>>
      tpu.wait_dma2 semaphore(%run_scoped3A : memref<!tpu.dma_semaphore, #tpu.memory_space<semaphore_mem>>) src(%dma_wait3A_10 : memref<160xi32, #tpu.memory_space<hbm>>) dst(%arg5 : memref<160xi32, #tpu.memory_space<vmem>>)
      tpu.yield
    }) : () -> ()
    %dma_start3A = arith.constant 0 : i32
    %dma_start3A_3 = arith.constant 0 : i32
    %dma_start3A_4 = tpu.memref_slice %arg2[%dma_start3A, %dma_start3A_3] : memref<401408x256xf32, #tpu.memory_space<hbm>> -> memref<401408x256xf32, #tpu.memory_space<hbm>>
    tpu.enqueue_indirect_dma source(%dma_start3A_4 : memref<401408x256xf32, #tpu.memory_space<hbm>>) target(%arg6 : memref<160x256xf32, #tpu.memory_space<vmem>>) offsets(%arg5 : memref<160xi32, #tpu.memory_space<vmem>>) semaphore(%arg7 : memref<!tpu.dma_semaphore, #tpu.memory_space<semaphore_mem>>)
    %dma_wait3A = arith.constant 0 : i32
    %dma_wait3A_5 = arith.constant 0 : i32
    %dma_wait3A_6 = tpu.memref_slice %arg2[%dma_wait3A, %dma_wait3A_5] : memref<401408x256xf32, #tpu.memory_space<hbm>> -> memref<401408x256xf32, #tpu.memory_space<hbm>>
    tpu.wait_indirect_dma semaphore(%arg7 : memref<!tpu.dma_semaphore, #tpu.memory_space<semaphore_mem>>) src(%dma_wait3A_6 : memref<401408x256xf32, #tpu.memory_space<hbm>>) dst(%arg6 : memref<160x256xf32, #tpu.memory_space<vmem>>)
    "tpu.region"() ({
      %run_scoped3A = tpu.sem_alloc : memref<!tpu.dma_semaphore, #tpu.memory_space<semaphore_mem>>
      %dma_start3A_7 = arith.constant 0 : i32
      %dma_start3A_8 = tpu.memref_slice %arg4[%mul3A_2, %dma_start3A_7] : memref<5120x256xf32, #tpu.memory_space<hbm>> -> memref<160x256xf32, #tpu.memory_space<hbm>>
      %dma_start3A_9 = arith.constant 0 : i32
      %dma_start3A_10 = tpu.memref_slice %arg4[%mul3A_2, %dma_start3A_9] : memref<5120x256xf32, #tpu.memory_space<hbm>> -> memref<160x256xf32, #tpu.memory_space<hbm>>
      tpu.enqueue_dma source(%arg6 : memref<160x256xf32, #tpu.memory_space<vmem>>) target(%dma_start3A_10 : memref<160x256xf32, #tpu.memory_space<hbm>>) target_semaphore(%run_scoped3A : memref<!tpu.dma_semaphore, #tpu.memory_space<semaphore_mem>>)
      %dma_wait3A_11 = arith.constant 0 : i32
      %dma_wait3A_12 = tpu.memref_slice %arg4[%mul3A_2, %dma_wait3A_11] : memref<5120x256xf32, #tpu.memory_space<hbm>> -> memref<160x256xf32, #tpu.memory_space<hbm>>
      %dma_wait3A_13 = arith.constant 0 : i32
      %dma_wait3A_14 = tpu.memref_slice %arg4[%mul3A_2, %dma_wait3A_13] : memref<5120x256xf32, #tpu.memory_space<hbm>> -> memref<160x256xf32, #tpu.memory_space<hbm>>
      tpu.wait_dma2 semaphore(%run_scoped3A : memref<!tpu.dma_semaphore, #tpu.memory_space<semaphore_mem>>) src(%arg6 : memref<160x256xf32, #tpu.memory_space<vmem>>) dst(%dma_wait3A_14 : memref<160x256xf32, #tpu.memory_space<hbm>>)
      tpu.yield
    }) : () -> ()
    return
  }
}

module attributes {stable_mosaic.version = 14 : i64} {
  func.func @_bank_kernel(%arg0: i32, %arg1: memref<1024x32xf32, #tpu.memory_space<vmem>>, %arg2: memref<32x2048xf32, #tpu.memory_space<vmem>>, %arg3: memref<32x2048xf32, #tpu.memory_space<vmem>>, %arg4: memref<8192x256xf32, #tpu.memory_space<vmem>>, %arg5: memref<8x1024xf32, #tpu.memory_space<vmem>>, %arg6: memref<1024x1xf32, #tpu.memory_space<vmem>>, %arg7: memref<1024x32xf32, #tpu.memory_space<vmem>>, %arg8: memref<1024x256xf32, #tpu.memory_space<vmem>>) attributes {dimension_semantics = [#tpu.dimension_semantics<arbitrary>], iteration_bounds = array<i64: 49>, scalar_prefetch = 0 : i64, scratch_operands = 2 : i64, tpu.core_type = #tpu.core_type<tc>, window_params = [{pipeline_mode = #tpu.pipeline_mode<synchronous>, transform_indices = @transform_0, window_bounds = array<i64: 1024, 32>}, {transform_indices = @transform_1, window_bounds = array<i64: 32, 2048>}, {pipeline_mode = #tpu.pipeline_mode<synchronous>, transform_indices = @transform_2, window_bounds = array<i64: 32, 2048>}, {transform_indices = @transform_3, window_bounds = array<i64: 8192, 256>}, {transform_indices = @transform_4, window_bounds = array<i64: 8, 1024>}, {pipeline_mode = #tpu.pipeline_mode<synchronous>, transform_indices = @transform_5, window_bounds = array<i64: 1024, 1>}]} {
    %eq3A = arith.constant 0 : i32
    %eq3A_0 = arith.cmpi eq, %arg0, %eq3A : i32
    %convert_element_type3A = arith.extui %eq3A_0 : i1 to i32
    %cond3A = arith.constant 0 : i32
    %cond3A_1 = arith.cmpi ne, %convert_element_type3A, %cond3A : i32
    scf.if %cond3A_1 {
      %get3A_100 = arith.constant 0 : index
      %get3A_101 = arith.constant 0 : index
      %get3A_102 = vector.load %arg1[%get3A_100, %get3A_101] : memref<1024x32xf32, #tpu.memory_space<vmem>>, vector<1024x32xf32>
      %mul3A_103 = arith.mulf %get3A_102, %get3A_102 : vector<1024x32xf32>
      %reduce_sum3A_104 = arith.constant dense<0.000000e+00> : vector<1024xf32>
      %reduce_sum3A_105 = vector.multi_reduction <add>, %mul3A_103, %reduce_sum3A_104 [1] : vector<1024x32xf32> to vector<1024xf32>
      %broadcast_in_dim3A_106 = vector.shape_cast %reduce_sum3A_105 : vector<1024xf32> to vector<1024x1xf32>
      %max3A_107 = arith.constant 1.000000e-24 : f32
      %max3A_108 = vector.broadcast %max3A_107 : f32 to vector<1024x1xf32>
      %max3A_109 = arith.maximumf %broadcast_in_dim3A_106, %max3A_108 : vector<1024x1xf32>
      %rsqrt3A_110 = math.rsqrt %max3A_109 : vector<1024x1xf32>
      %mul3A_111 = vector.broadcast %rsqrt3A_110 : vector<1024x1xf32> to vector<1024x32xf32>
      %mul3A_112 = arith.mulf %get3A_102, %mul3A_111 : vector<1024x32xf32>
      %swap3A_113 = arith.constant 0 : index
      %swap3A_114 = arith.constant 0 : index
      %swap3A_115 = vector.load %arg7[%swap3A_113, %swap3A_114] : memref<1024x32xf32, #tpu.memory_space<vmem>>, vector<1024x32xf32>
      tpu.vector_store %arg7[%swap3A_113, %swap3A_114], %mul3A_112 {strides = array<i32>} : memref<1024x32xf32, #tpu.memory_space<vmem>>, vector<1024x32xf32>,
      %broadcast_in_dim3A_116 = arith.constant 0.000000e+00 : f32
      %broadcast_in_dim3A_117 = vector.broadcast %broadcast_in_dim3A_116 : f32 to vector<1024x256xf32>
      %swap3A_118 = arith.constant 0 : index
      %swap3A_119 = arith.constant 0 : index
      %swap3A_120 = vector.load %arg8[%swap3A_118, %swap3A_119] : memref<1024x256xf32, #tpu.memory_space<vmem>>, vector<1024x256xf32>
      tpu.vector_store %arg8[%swap3A_118, %swap3A_119], %broadcast_in_dim3A_117 {strides = array<i32>} : memref<1024x256xf32, #tpu.memory_space<vmem>>, vector<1024x256xf32>,
    } else {
    }
    %get3A = arith.constant 0 : index
    %get3A_2 = arith.constant 0 : index
    %get3A_3 = vector.load %arg7[%get3A, %get3A_2] : memref<1024x32xf32, #tpu.memory_space<vmem>>, vector<1024x32xf32>
    %eq3A_4 = arith.constant 48 : i32
    %eq3A_5 = arith.cmpi eq, %arg0, %eq3A_4 : i32
    %get3A_6 = arith.constant 0 : index
    %get3A_7 = arith.constant 0 : index
    %get3A_8 = vector.load %arg3[%get3A_6, %get3A_7] : memref<32x2048xf32, #tpu.memory_space<vmem>>, vector<32x2048xf32>
    %get3A_9 = arith.constant 0 : index
    %get3A_10 = arith.constant 0 : index
    %get3A_11 = vector.load %arg2[%get3A_9, %get3A_10] : memref<32x2048xf32, #tpu.memory_space<vmem>>, vector<32x2048xf32>
    %select_n3A = arith.select %eq3A_5, %get3A_8, %get3A_11 : vector<32x2048xf32>
    %mul3A = arith.mulf %select_n3A, %select_n3A : vector<32x2048xf32>
    %reduce_sum3A = arith.constant dense<0.000000e+00> : vector<2048xf32>
    %reduce_sum3A_12 = vector.multi_reduction <add>, %mul3A, %reduce_sum3A [0] : vector<32x2048xf32> to vector<2048xf32>
    %broadcast_in_dim3A = vector.shape_cast %reduce_sum3A_12 : vector<2048xf32> to vector<1x2048xf32>
    %max3A = arith.constant 1.000000e-24 : f32
    %max3A_13 = vector.broadcast %max3A : f32 to vector<1x2048xf32>
    %max3A_14 = arith.maximumf %broadcast_in_dim3A, %max3A_13 : vector<1x2048xf32>
    %rsqrt3A = math.rsqrt %max3A_14 : vector<1x2048xf32>
    %mul3A_15 = vector.broadcast %rsqrt3A : vector<1x2048xf32> to vector<32x2048xf32>
    %mul3A_16 = arith.mulf %select_n3A, %mul3A_15 : vector<32x2048xf32>
    %dot_general3A = arith.constant dense<0.000000e+00> : vector<1024x2048xf32>
    %dot_general3A_17 = tpu.matmul %get3A_3, %mul3A_16, %dot_general3A {dimension_numbers = #tpu.dot_dimension_numbers<[1], [0], [0], [1], [0, 0, 1, 1], [], []>, transpose_lhs_hint = false} : vector<1024x32xf32>, vector<32x2048xf32>, vector<1024x2048xf32> -> vector<1024x2048xf32>
    %get3A_18 = arith.constant 0 : index
    %get3A_19 = arith.constant 0 : index
    %get3A_20 = vector.load %arg8[%get3A_18, %get3A_19] : memref<1024x256xf32, #tpu.memory_space<vmem>>, vector<1024x256xf32>
    %slice3A = vector.extract_strided_slice %dot_general3A_17 {offsets = [0, 0], sizes = [1024, 256], strides = [1, 1]} : vector<1024x2048xf32> to vector<1024x256xf32>
    %add3A = arith.addf %get3A_20, %slice3A : vector<1024x256xf32>
    %slice3A_21 = vector.extract_strided_slice %dot_general3A_17 {offsets = [0, 256], sizes = [1024, 256], strides = [1, 1]} : vector<1024x2048xf32> to vector<1024x256xf32>
    %add3A_22 = arith.addf %add3A, %slice3A_21 : vector<1024x256xf32>
    %slice3A_23 = vector.extract_strided_slice %dot_general3A_17 {offsets = [0, 512], sizes = [1024, 256], strides = [1, 1]} : vector<1024x2048xf32> to vector<1024x256xf32>
    %add3A_24 = arith.addf %add3A_22, %slice3A_23 : vector<1024x256xf32>
    %slice3A_25 = vector.extract_strided_slice %dot_general3A_17 {offsets = [0, 768], sizes = [1024, 256], strides = [1, 1]} : vector<1024x2048xf32> to vector<1024x256xf32>
    %add3A_26 = arith.addf %add3A_24, %slice3A_25 : vector<1024x256xf32>
    %slice3A_27 = vector.extract_strided_slice %dot_general3A_17 {offsets = [0, 1024], sizes = [1024, 256], strides = [1, 1]} : vector<1024x2048xf32> to vector<1024x256xf32>
    %add3A_28 = arith.addf %add3A_26, %slice3A_27 : vector<1024x256xf32>
    %slice3A_29 = vector.extract_strided_slice %dot_general3A_17 {offsets = [0, 1280], sizes = [1024, 256], strides = [1, 1]} : vector<1024x2048xf32> to vector<1024x256xf32>
    %add3A_30 = arith.addf %add3A_28, %slice3A_29 : vector<1024x256xf32>
    %slice3A_31 = vector.extract_strided_slice %dot_general3A_17 {offsets = [0, 1536], sizes = [1024, 256], strides = [1, 1]} : vector<1024x2048xf32> to vector<1024x256xf32>
    %add3A_32 = arith.addf %add3A_30, %slice3A_31 : vector<1024x256xf32>
    %slice3A_33 = vector.extract_strided_slice %dot_general3A_17 {offsets = [0, 1792], sizes = [1024, 256], strides = [1, 1]} : vector<1024x2048xf32> to vector<1024x256xf32>
    %add3A_34 = arith.addf %add3A_32, %slice3A_33 : vector<1024x256xf32>
    %swap3A = arith.constant 0 : index
    %swap3A_35 = arith.constant 0 : index
    %swap3A_36 = vector.load %arg8[%swap3A, %swap3A_35] : memref<1024x256xf32, #tpu.memory_space<vmem>>, vector<1024x256xf32>
    tpu.vector_store %arg8[%swap3A, %swap3A_35], %add3A_34 {strides = array<i32>} : memref<1024x256xf32, #tpu.memory_space<vmem>>, vector<1024x256xf32>,
    %slice3A_37 = vector.extract_strided_slice %dot_general3A_17 {offsets = [0, 0], sizes = [1024, 256], strides = [1, 1]} : vector<1024x2048xf32> to vector<1024x256xf32>
    %swap3A_38 = arith.constant 0 : index
    %swap3A_39 = arith.constant 0 : index
    %swap3A_40 = vector.load %arg4[%swap3A_38, %swap3A_39] : memref<8192x256xf32, #tpu.memory_space<vmem>>, vector<1024x256xf32>
    tpu.vector_store %arg4[%swap3A_38, %swap3A_39], %slice3A_37 {strides = array<i32>} : memref<8192x256xf32, #tpu.memory_space<vmem>>, vector<1024x256xf32>,
    %reduce_max3A = arith.constant dense<0xFF800000> : vector<1024xf32>
    %reduce_max3A_41 = vector.multi_reduction <maximumf>, %slice3A_37, %reduce_max3A [1] : vector<1024x256xf32> to vector<1024xf32>
    %broadcast_in_dim3A_42 = vector.shape_cast %reduce_max3A_41 : vector<1024xf32> to vector<1024x1xf32>
    %slice3A_43 = vector.extract_strided_slice %dot_general3A_17 {offsets = [0, 256], sizes = [1024, 256], strides = [1, 1]} : vector<1024x2048xf32> to vector<1024x256xf32>
    %swap3A_44 = arith.constant 1024 : index
    %swap3A_45 = arith.constant 0 : index
    %swap3A_46 = vector.load %arg4[%swap3A_44, %swap3A_45] : memref<8192x256xf32, #tpu.memory_space<vmem>>, vector<1024x256xf32>
    tpu.vector_store %arg4[%swap3A_44, %swap3A_45], %slice3A_43 {strides = array<i32>} : memref<8192x256xf32, #tpu.memory_space<vmem>>, vector<1024x256xf32>,
    %reduce_max3A_47 = arith.constant dense<0xFF800000> : vector<1024xf32>
    %reduce_max3A_48 = vector.multi_reduction <maximumf>, %slice3A_43, %reduce_max3A_47 [1] : vector<1024x256xf32> to vector<1024xf32>
    %broadcast_in_dim3A_49 = vector.shape_cast %reduce_max3A_48 : vector<1024xf32> to vector<1024x1xf32>
    %slice3A_50 = vector.extract_strided_slice %dot_general3A_17 {offsets = [0, 512], sizes = [1024, 256], strides = [1, 1]} : vector<1024x2048xf32> to vector<1024x256xf32>
    %swap3A_51 = arith.constant 2048 : index
    %swap3A_52 = arith.constant 0 : index
    %swap3A_53 = vector.load %arg4[%swap3A_51, %swap3A_52] : memref<8192x256xf32, #tpu.memory_space<vmem>>, vector<1024x256xf32>
    tpu.vector_store %arg4[%swap3A_51, %swap3A_52], %slice3A_50 {strides = array<i32>} : memref<8192x256xf32, #tpu.memory_space<vmem>>, vector<1024x256xf32>,
    %reduce_max3A_54 = arith.constant dense<0xFF800000> : vector<1024xf32>
    %reduce_max3A_55 = vector.multi_reduction <maximumf>, %slice3A_50, %reduce_max3A_54 [1] : vector<1024x256xf32> to vector<1024xf32>
    %broadcast_in_dim3A_56 = vector.shape_cast %reduce_max3A_55 : vector<1024xf32> to vector<1024x1xf32>
    %slice3A_57 = vector.extract_strided_slice %dot_general3A_17 {offsets = [0, 768], sizes = [1024, 256], strides = [1, 1]} : vector<1024x2048xf32> to vector<1024x256xf32>
    %swap3A_58 = arith.constant 3072 : index
    %swap3A_59 = arith.constant 0 : index
    %swap3A_60 = vector.load %arg4[%swap3A_58, %swap3A_59] : memref<8192x256xf32, #tpu.memory_space<vmem>>, vector<1024x256xf32>
    tpu.vector_store %arg4[%swap3A_58, %swap3A_59], %slice3A_57 {strides = array<i32>} : memref<8192x256xf32, #tpu.memory_space<vmem>>, vector<1024x256xf32>,
    %reduce_max3A_61 = arith.constant dense<0xFF800000> : vector<1024xf32>
    %reduce_max3A_62 = vector.multi_reduction <maximumf>, %slice3A_57, %reduce_max3A_61 [1] : vector<1024x256xf32> to vector<1024xf32>
    %broadcast_in_dim3A_63 = vector.shape_cast %reduce_max3A_62 : vector<1024xf32> to vector<1024x1xf32>
    %slice3A_64 = vector.extract_strided_slice %dot_general3A_17 {offsets = [0, 1024], sizes = [1024, 256], strides = [1, 1]} : vector<1024x2048xf32> to vector<1024x256xf32>
    %swap3A_65 = arith.constant 4096 : index
    %swap3A_66 = arith.constant 0 : index
    %swap3A_67 = vector.load %arg4[%swap3A_65, %swap3A_66] : memref<8192x256xf32, #tpu.memory_space<vmem>>, vector<1024x256xf32>
    tpu.vector_store %arg4[%swap3A_65, %swap3A_66], %slice3A_64 {strides = array<i32>} : memref<8192x256xf32, #tpu.memory_space<vmem>>, vector<1024x256xf32>,
    %reduce_max3A_68 = arith.constant dense<0xFF800000> : vector<1024xf32>
    %reduce_max3A_69 = vector.multi_reduction <maximumf>, %slice3A_64, %reduce_max3A_68 [1] : vector<1024x256xf32> to vector<1024xf32>
    %broadcast_in_dim3A_70 = vector.shape_cast %reduce_max3A_69 : vector<1024xf32> to vector<1024x1xf32>
    %slice3A_71 = vector.extract_strided_slice %dot_general3A_17 {offsets = [0, 1280], sizes = [1024, 256], strides = [1, 1]} : vector<1024x2048xf32> to vector<1024x256xf32>
    %swap3A_72 = arith.constant 5120 : index
    %swap3A_73 = arith.constant 0 : index
    %swap3A_74 = vector.load %arg4[%swap3A_72, %swap3A_73] : memref<8192x256xf32, #tpu.memory_space<vmem>>, vector<1024x256xf32>
    tpu.vector_store %arg4[%swap3A_72, %swap3A_73], %slice3A_71 {strides = array<i32>} : memref<8192x256xf32, #tpu.memory_space<vmem>>, vector<1024x256xf32>,
    %reduce_max3A_75 = arith.constant dense<0xFF800000> : vector<1024xf32>
    %reduce_max3A_76 = vector.multi_reduction <maximumf>, %slice3A_71, %reduce_max3A_75 [1] : vector<1024x256xf32> to vector<1024xf32>
    %broadcast_in_dim3A_77 = vector.shape_cast %reduce_max3A_76 : vector<1024xf32> to vector<1024x1xf32>
    %slice3A_78 = vector.extract_strided_slice %dot_general3A_17 {offsets = [0, 1536], sizes = [1024, 256], strides = [1, 1]} : vector<1024x2048xf32> to vector<1024x256xf32>
    %swap3A_79 = arith.constant 6144 : index
    %swap3A_80 = arith.constant 0 : index
    %swap3A_81 = vector.load %arg4[%swap3A_79, %swap3A_80] : memref<8192x256xf32, #tpu.memory_space<vmem>>, vector<1024x256xf32>
    tpu.vector_store %arg4[%swap3A_79, %swap3A_80], %slice3A_78 {strides = array<i32>} : memref<8192x256xf32, #tpu.memory_space<vmem>>, vector<1024x256xf32>,
    %reduce_max3A_82 = arith.constant dense<0xFF800000> : vector<1024xf32>
    %reduce_max3A_83 = vector.multi_reduction <maximumf>, %slice3A_78, %reduce_max3A_82 [1] : vector<1024x256xf32> to vector<1024xf32>
    %broadcast_in_dim3A_84 = vector.shape_cast %reduce_max3A_83 : vector<1024xf32> to vector<1024x1xf32>
    %slice3A_85 = vector.extract_strided_slice %dot_general3A_17 {offsets = [0, 1792], sizes = [1024, 256], strides = [1, 1]} : vector<1024x2048xf32> to vector<1024x256xf32>
    %swap3A_86 = arith.constant 7168 : index
    %swap3A_87 = arith.constant 0 : index
    %swap3A_88 = vector.load %arg4[%swap3A_86, %swap3A_87] : memref<8192x256xf32, #tpu.memory_space<vmem>>, vector<1024x256xf32>
    tpu.vector_store %arg4[%swap3A_86, %swap3A_87], %slice3A_85 {strides = array<i32>} : memref<8192x256xf32, #tpu.memory_space<vmem>>, vector<1024x256xf32>,
    %reduce_max3A_89 = arith.constant dense<0xFF800000> : vector<1024xf32>
    %reduce_max3A_90 = vector.multi_reduction <maximumf>, %slice3A_85, %reduce_max3A_89 [1] : vector<1024x256xf32> to vector<1024xf32>
    %broadcast_in_dim3A_91 = vector.shape_cast %reduce_max3A_90 : vector<1024xf32> to vector<1024x1xf32>
    %concatenate3A = tpu.concatenate %broadcast_in_dim3A_42, %broadcast_in_dim3A_49, %broadcast_in_dim3A_56, %broadcast_in_dim3A_63, %broadcast_in_dim3A_70, %broadcast_in_dim3A_77, %broadcast_in_dim3A_84, %broadcast_in_dim3A_91 in 1 : vector<1024x1xf32>, vector<1024x1xf32>, vector<1024x1xf32>, vector<1024x1xf32>, vector<1024x1xf32>, vector<1024x1xf32>, vector<1024x1xf32>, vector<1024x1xf32> -> vector<1024x8xf32>
    %transpose3A = tpu.transpose %concatenate3A, [1, 0] : vector<1024x8xf32> -> vector<8x1024xf32>
    %swap3A_92 = arith.constant 0 : index
    %swap3A_93 = arith.constant 0 : index
    %swap3A_94 = vector.load %arg5[%swap3A_92, %swap3A_93] : memref<8x1024xf32, #tpu.memory_space<vmem>>, vector<8x1024xf32>
    tpu.vector_store %arg5[%swap3A_92, %swap3A_93], %transpose3A {strides = array<i32>} : memref<8x1024xf32, #tpu.memory_space<vmem>>, vector<8x1024xf32>,
    %eq3A_95 = arith.constant 48 : i32
    %eq3A_96 = arith.cmpi eq, %arg0, %eq3A_95 : i32
    %convert_element_type3A_97 = arith.extui %eq3A_96 : i1 to i32
    %cond3A_98 = arith.constant 0 : i32
    %cond3A_99 = arith.cmpi ne, %convert_element_type3A_97, %cond3A_98 : i32
    scf.if %cond3A_99 {
      %iota3A = tpu.iota {dimensions = array<i32: 1>} : vector<1x256xi32>
      %add3A_100 = arith.constant 99840 : i32
      %add3A_101 = vector.broadcast %add3A_100 : i32 to vector<1x256xi32>
      %add3A_102 = arith.addi %iota3A, %add3A_101 : vector<1x256xi32>
      %ge3A = arith.constant 100000 : i32
      %ge3A_103 = vector.broadcast %ge3A : i32 to vector<1x256xi32>
      %ge3A_104 = arith.cmpi sge, %add3A_102, %ge3A_103 : vector<1x256xi32>
      %jit3A = arith.constant -1.000000e+30 : f32
      %jit3A_105 = arith.constant 0.000000e+00 : f32
      %broadcast_in_dim3A_106 = vector.broadcast %jit3A : f32 to vector<1x256xf32>
      %broadcast_in_dim3A_107 = vector.broadcast %jit3A_105 : f32 to vector<1x256xf32>
      %select_n3A_108 = arith.select %ge3A_104, %broadcast_in_dim3A_106, %broadcast_in_dim3A_107 : vector<1x256xi1>, vector<1x256xf32>
      %slice3A_109 = vector.extract_strided_slice %dot_general3A_17 {offsets = [0, 1536], sizes = [1024, 256], strides = [1, 1]} : vector<1024x2048xf32> to vector<1024x256xf32>
      %add3A_110 = vector.broadcast %select_n3A_108 : vector<1x256xf32> to vector<1024x256xf32>
      %add3A_111 = arith.addf %slice3A_109, %add3A_110 : vector<1024x256xf32>
      %swap3A_112 = arith.constant 6144 : index
      %swap3A_113 = arith.constant 0 : index
      %swap3A_114 = vector.load %arg4[%swap3A_112, %swap3A_113] : memref<8192x256xf32, #tpu.memory_space<vmem>>, vector<1024x256xf32>
      tpu.vector_store %arg4[%swap3A_112, %swap3A_113], %add3A_111 {strides = array<i32>} : memref<8192x256xf32, #tpu.memory_space<vmem>>, vector<1024x256xf32>,
      %reduce_max3A_115 = arith.constant dense<0xFF800000> : vector<1024xf32>
      %reduce_max3A_116 = vector.multi_reduction <maximumf>, %add3A_111, %reduce_max3A_115 [1] : vector<1024x256xf32> to vector<1024xf32>
      %broadcast_in_dim3A_117 = vector.shape_cast %reduce_max3A_116 : vector<1024xf32> to vector<1024x1xf32>
      %add3A_118 = arith.constant 100096 : i32
      %add3A_119 = vector.broadcast %add3A_118 : i32 to vector<1x256xi32>
      %add3A_120 = arith.addi %iota3A, %add3A_119 : vector<1x256xi32>
      %ge3A_121 = arith.constant 100000 : i32
      %ge3A_122 = vector.broadcast %ge3A_121 : i32 to vector<1x256xi32>
      %ge3A_123 = arith.cmpi sge, %add3A_120, %ge3A_122 : vector<1x256xi32>
      %jit3A_124 = arith.constant -1.000000e+30 : f32
      %jit3A_125 = arith.constant 0.000000e+00 : f32
      %broadcast_in_dim3A_126 = vector.broadcast %jit3A_124 : f32 to vector<1x256xf32>
      %broadcast_in_dim3A_127 = vector.broadcast %jit3A_125 : f32 to vector<1x256xf32>
      %select_n3A_128 = arith.select %ge3A_123, %broadcast_in_dim3A_126, %broadcast_in_dim3A_127 : vector<1x256xi1>, vector<1x256xf32>
      %slice3A_129 = vector.extract_strided_slice %dot_general3A_17 {offsets = [0, 1792], sizes = [1024, 256], strides = [1, 1]} : vector<1024x2048xf32> to vector<1024x256xf32>
      %add3A_130 = vector.broadcast %select_n3A_128 : vector<1x256xf32> to vector<1024x256xf32>
      %add3A_131 = arith.addf %slice3A_129, %add3A_130 : vector<1024x256xf32>
      %swap3A_132 = arith.constant 7168 : index
      %swap3A_133 = arith.constant 0 : index
      %swap3A_134 = vector.load %arg4[%swap3A_132, %swap3A_133] : memref<8192x256xf32, #tpu.memory_space<vmem>>, vector<1024x256xf32>
      tpu.vector_store %arg4[%swap3A_132, %swap3A_133], %add3A_131 {strides = array<i32>} : memref<8192x256xf32, #tpu.memory_space<vmem>>, vector<1024x256xf32>,
      %reduce_max3A_135 = arith.constant dense<0xFF800000> : vector<1024xf32>
      %reduce_max3A_136 = vector.multi_reduction <maximumf>, %add3A_131, %reduce_max3A_135 [1] : vector<1024x256xf32> to vector<1024xf32>
      %broadcast_in_dim3A_137 = vector.shape_cast %reduce_max3A_136 : vector<1024xf32> to vector<1024x1xf32>
      %concatenate3A_138 = tpu.concatenate %broadcast_in_dim3A_42, %broadcast_in_dim3A_49, %broadcast_in_dim3A_56, %broadcast_in_dim3A_63, %broadcast_in_dim3A_70, %broadcast_in_dim3A_77, %broadcast_in_dim3A_117, %broadcast_in_dim3A_137 in 1 : vector<1024x1xf32>, vector<1024x1xf32>, vector<1024x1xf32>, vector<1024x1xf32>, vector<1024x1xf32>, vector<1024x1xf32>, vector<1024x1xf32>, vector<1024x1xf32> -> vector<1024x8xf32>
      %transpose3A_139 = tpu.transpose %concatenate3A_138, [1, 0] : vector<1024x8xf32> -> vector<8x1024xf32>
      %swap3A_140 = arith.constant 0 : index
      %swap3A_141 = arith.constant 0 : index
      %swap3A_142 = vector.load %arg5[%swap3A_140, %swap3A_141] : memref<8x1024xf32, #tpu.memory_space<vmem>>, vector<8x1024xf32>
      tpu.vector_store %arg5[%swap3A_140, %swap3A_141], %transpose3A_139 {strides = array<i32>} : memref<8x1024xf32, #tpu.memory_space<vmem>>, vector<8x1024xf32>,
      %get3A_143 = arith.constant 0 : index
      %get3A_144 = arith.constant 0 : index
      %get3A_145 = vector.load %arg8[%get3A_143, %get3A_144] : memref<1024x256xf32, #tpu.memory_space<vmem>>, vector<1024x256xf32>
      %reduce_sum3A_146 = arith.constant dense<0.000000e+00> : vector<1024xf32>
      %reduce_sum3A_147 = vector.multi_reduction <add>, %get3A_145, %reduce_sum3A_146 [1] : vector<1024x256xf32> to vector<1024xf32>
      %broadcast_in_dim3A_148 = vector.shape_cast %reduce_sum3A_147 : vector<1024xf32> to vector<1024x1xf32>
      %swap3A_149 = arith.constant 0 : index
      %swap3A_150 = arith.constant 0 : index
      %swap3A_151 = vector.load %arg6[%swap3A_149, %swap3A_150] : memref<1024x1xf32, #tpu.memory_space<vmem>>, vector<1024x1xf32>
      tpu.vector_store %arg6[%swap3A_149, %swap3A_150], %broadcast_in_dim3A_148 {strides = array<i32>} : memref<1024x1xf32, #tpu.memory_space<vmem>>, vector<1024x1xf32>,
    } else {
    }
    return
  }
  func.func @transform_0(%arg0: i32) -> (i32, i32) {
    %c0_i32 = arith.constant 0 : i32
    %c0_i32_0 = arith.constant 0 : i32
    %c0_i32_1 = arith.constant 0 : i32
    return %c0_i32, %c0_i32_0 : i32, i32
  }
  func.func @transform_1(%arg0: i32) -> (i32, i32) {
    %c0_i32 = arith.constant 0 : i32
    %c0_i32_0 = arith.constant 0 : i32
    return %c0_i32, %arg0 : i32, i32
  }
  func.func @transform_2(%arg0: i32) -> (i32, i32) {
    %c0_i32 = arith.constant 0 : i32
    %c0_i32_0 = arith.constant 0 : i32
    %c0_i32_1 = arith.constant 0 : i32
    return %c0_i32, %c0_i32_0 : i32, i32
  }
  func.func @transform_3(%arg0: i32) -> (i32, i32) {
    %c0_i32 = arith.constant 0 : i32
    %c0_i32_0 = arith.constant 0 : i32
    return %arg0, %c0_i32 : i32, i32
  }
  func.func @transform_4(%arg0: i32) -> (i32, i32) {
    %c0_i32 = arith.constant 0 : i32
    %c0_i32_0 = arith.constant 0 : i32
    return %arg0, %c0_i32 : i32, i32
  }
  func.func @transform_5(%arg0: i32) -> (i32, i32) {
    %c0_i32 = arith.constant 0 : i32
    %c0_i32_0 = arith.constant 0 : i32
    %c0_i32_1 = arith.constant 0 : i32
    return %c0_i32, %c0_i32_0 : i32, i32
  }
}

module attributes {stable_mosaic.version = 14 : i64} {
  func.func @_slotsel_kernel(%arg0: memref<392x1024xf32, #tpu.memory_space<vmem>>, %arg1: memref<8x1024xi32, #tpu.memory_space<vmem>>) attributes {dimension_semantics = [], scalar_prefetch = 0 : i64, scratch_operands = 0 : i64, tpu.core_type = #tpu.core_type<tc>} {
    %get3A = arith.constant 0 : index
    %get3A_0 = arith.constant 0 : index
    %get3A_1 = vector.load %arg0[%get3A, %get3A_0] : memref<392x1024xf32, #tpu.memory_space<vmem>>, vector<392x1024xf32>
    %iota3A = tpu.iota {dimensions = array<i32: 0>} : vector<392x1024xi32>
    %iota3A_2 = tpu.iota {dimensions = array<i32: 1>} : vector<1x1024xi32>
    %reduce_max3A = arith.constant dense<0xFF800000> : vector<1024xf32>
    %reduce_max3A_3 = vector.multi_reduction <maximumf>, %get3A_1, %reduce_max3A [0] : vector<392x1024xf32> to vector<1024xf32>
    %broadcast_in_dim3A = vector.shape_cast %reduce_max3A_3 : vector<1024xf32> to vector<1x1024xf32>
    %eq3A = vector.broadcast %broadcast_in_dim3A : vector<1x1024xf32> to vector<392x1024xf32>
    %eq3A_4 = arith.cmpf oeq, %get3A_1, %eq3A : vector<392x1024xf32>
    %jit3A = arith.constant 392 : i32
    %broadcast_in_dim3A_5 = vector.broadcast %jit3A : i32 to vector<392x1024xi32>
    %select_n3A = arith.select %eq3A_4, %iota3A, %broadcast_in_dim3A_5 : vector<392x1024xi1>, vector<392x1024xi32>
    %reduce_min3A = arith.constant dense<2147483647> : vector<1024xi32>
    %reduce_min3A_6 = vector.multi_reduction <minsi>, %select_n3A, %reduce_min3A [0] : vector<392x1024xi32> to vector<1024xi32>
    %broadcast_in_dim3A_7 = vector.shape_cast %reduce_min3A_6 : vector<1024xi32> to vector<1x1024xi32>
    %eq3A_8 = vector.broadcast %broadcast_in_dim3A_7 : vector<1x1024xi32> to vector<392x1024xi32>
    %eq3A_9 = arith.cmpi eq, %iota3A, %eq3A_8 : vector<392x1024xi32>
    %jit3A_10 = arith.constant -1.000000e+30 : f32
    %broadcast_in_dim3A_11 = vector.broadcast %jit3A_10 : f32 to vector<392x1024xf32>
    %select_n3A_12 = arith.select %eq3A_9, %broadcast_in_dim3A_11, %get3A_1 : vector<392x1024xi1>, vector<392x1024xf32>
    %mul3A = arith.constant 1024 : i32
    %mul3A_13 = vector.broadcast %mul3A : i32 to vector<1x1024xi32>
    %mul3A_14 = arith.muli %broadcast_in_dim3A_7, %mul3A_13 : vector<1x1024xi32>
    %add3A = arith.addi %mul3A_14, %iota3A_2 : vector<1x1024xi32>
    %swap3A = arith.constant 0 : index
    %swap3A_15 = arith.constant 0 : index
    %swap3A_16 = vector.load %arg1[%swap3A, %swap3A_15] : memref<8x1024xi32, #tpu.memory_space<vmem>>, vector<1x1024xi32>
    tpu.vector_store %arg1[%swap3A, %swap3A_15], %add3A {strides = array<i32>} : memref<8x1024xi32, #tpu.memory_space<vmem>>, vector<1x1024xi32>,
    %reduce_max3A_17 = arith.constant dense<0xFF800000> : vector<1024xf32>
    %reduce_max3A_18 = vector.multi_reduction <maximumf>, %select_n3A_12, %reduce_max3A_17 [0] : vector<392x1024xf32> to vector<1024xf32>
    %broadcast_in_dim3A_19 = vector.shape_cast %reduce_max3A_18 : vector<1024xf32> to vector<1x1024xf32>
    %eq3A_20 = vector.broadcast %broadcast_in_dim3A_19 : vector<1x1024xf32> to vector<392x1024xf32>
    %eq3A_21 = arith.cmpf oeq, %select_n3A_12, %eq3A_20 : vector<392x1024xf32>
    %jit3A_22 = arith.constant 392 : i32
    %broadcast_in_dim3A_23 = vector.broadcast %jit3A_22 : i32 to vector<392x1024xi32>
    %select_n3A_24 = arith.select %eq3A_21, %iota3A, %broadcast_in_dim3A_23 : vector<392x1024xi1>, vector<392x1024xi32>
    %reduce_min3A_25 = arith.constant dense<2147483647> : vector<1024xi32>
    %reduce_min3A_26 = vector.multi_reduction <minsi>, %select_n3A_24, %reduce_min3A_25 [0] : vector<392x1024xi32> to vector<1024xi32>
    %broadcast_in_dim3A_27 = vector.shape_cast %reduce_min3A_26 : vector<1024xi32> to vector<1x1024xi32>
    %eq3A_28 = vector.broadcast %broadcast_in_dim3A_27 : vector<1x1024xi32> to vector<392x1024xi32>
    %eq3A_29 = arith.cmpi eq, %iota3A, %eq3A_28 : vector<392x1024xi32>
    %jit3A_30 = arith.constant -1.000000e+30 : f32
    %broadcast_in_dim3A_31 = vector.broadcast %jit3A_30 : f32 to vector<392x1024xf32>
    %select_n3A_32 = arith.select %eq3A_29, %broadcast_in_dim3A_31, %select_n3A_12 : vector<392x1024xi1>, vector<392x1024xf32>
    %mul3A_33 = arith.constant 1024 : i32
    %mul3A_34 = vector.broadcast %mul3A_33 : i32 to vector<1x1024xi32>
    %mul3A_35 = arith.muli %broadcast_in_dim3A_27, %mul3A_34 : vector<1x1024xi32>
    %add3A_36 = arith.addi %mul3A_35, %iota3A_2 : vector<1x1024xi32>
    %swap3A_37 = arith.constant 1 : index
    %swap3A_38 = arith.constant 0 : index
    %swap3A_39 = vector.load %arg1[%swap3A_37, %swap3A_38] : memref<8x1024xi32, #tpu.memory_space<vmem>>, vector<1x1024xi32>
    tpu.vector_store %arg1[%swap3A_37, %swap3A_38], %add3A_36 {strides = array<i32>} : memref<8x1024xi32, #tpu.memory_space<vmem>>, vector<1x1024xi32>,
    %reduce_max3A_40 = arith.constant dense<0xFF800000> : vector<1024xf32>
    %reduce_max3A_41 = vector.multi_reduction <maximumf>, %select_n3A_32, %reduce_max3A_40 [0] : vector<392x1024xf32> to vector<1024xf32>
    %broadcast_in_dim3A_42 = vector.shape_cast %reduce_max3A_41 : vector<1024xf32> to vector<1x1024xf32>
    %eq3A_43 = vector.broadcast %broadcast_in_dim3A_42 : vector<1x1024xf32> to vector<392x1024xf32>
    %eq3A_44 = arith.cmpf oeq, %select_n3A_32, %eq3A_43 : vector<392x1024xf32>
    %jit3A_45 = arith.constant 392 : i32
    %broadcast_in_dim3A_46 = vector.broadcast %jit3A_45 : i32 to vector<392x1024xi32>
    %select_n3A_47 = arith.select %eq3A_44, %iota3A, %broadcast_in_dim3A_46 : vector<392x1024xi1>, vector<392x1024xi32>
    %reduce_min3A_48 = arith.constant dense<2147483647> : vector<1024xi32>
    %reduce_min3A_49 = vector.multi_reduction <minsi>, %select_n3A_47, %reduce_min3A_48 [0] : vector<392x1024xi32> to vector<1024xi32>
    %broadcast_in_dim3A_50 = vector.shape_cast %reduce_min3A_49 : vector<1024xi32> to vector<1x1024xi32>
    %eq3A_51 = vector.broadcast %broadcast_in_dim3A_50 : vector<1x1024xi32> to vector<392x1024xi32>
    %eq3A_52 = arith.cmpi eq, %iota3A, %eq3A_51 : vector<392x1024xi32>
    %jit3A_53 = arith.constant -1.000000e+30 : f32
    %broadcast_in_dim3A_54 = vector.broadcast %jit3A_53 : f32 to vector<392x1024xf32>
    %select_n3A_55 = arith.select %eq3A_52, %broadcast_in_dim3A_54, %select_n3A_32 : vector<392x1024xi1>, vector<392x1024xf32>
    %mul3A_56 = arith.constant 1024 : i32
    %mul3A_57 = vector.broadcast %mul3A_56 : i32 to vector<1x1024xi32>
    %mul3A_58 = arith.muli %broadcast_in_dim3A_50, %mul3A_57 : vector<1x1024xi32>
    %add3A_59 = arith.addi %mul3A_58, %iota3A_2 : vector<1x1024xi32>
    %swap3A_60 = arith.constant 2 : index
    %swap3A_61 = arith.constant 0 : index
    %swap3A_62 = vector.load %arg1[%swap3A_60, %swap3A_61] : memref<8x1024xi32, #tpu.memory_space<vmem>>, vector<1x1024xi32>
    tpu.vector_store %arg1[%swap3A_60, %swap3A_61], %add3A_59 {strides = array<i32>} : memref<8x1024xi32, #tpu.memory_space<vmem>>, vector<1x1024xi32>,
    %reduce_max3A_63 = arith.constant dense<0xFF800000> : vector<1024xf32>
    %reduce_max3A_64 = vector.multi_reduction <maximumf>, %select_n3A_55, %reduce_max3A_63 [0] : vector<392x1024xf32> to vector<1024xf32>
    %broadcast_in_dim3A_65 = vector.shape_cast %reduce_max3A_64 : vector<1024xf32> to vector<1x1024xf32>
    %eq3A_66 = vector.broadcast %broadcast_in_dim3A_65 : vector<1x1024xf32> to vector<392x1024xf32>
    %eq3A_67 = arith.cmpf oeq, %select_n3A_55, %eq3A_66 : vector<392x1024xf32>
    %jit3A_68 = arith.constant 392 : i32
    %broadcast_in_dim3A_69 = vector.broadcast %jit3A_68 : i32 to vector<392x1024xi32>
    %select_n3A_70 = arith.select %eq3A_67, %iota3A, %broadcast_in_dim3A_69 : vector<392x1024xi1>, vector<392x1024xi32>
    %reduce_min3A_71 = arith.constant dense<2147483647> : vector<1024xi32>
    %reduce_min3A_72 = vector.multi_reduction <minsi>, %select_n3A_70, %reduce_min3A_71 [0] : vector<392x1024xi32> to vector<1024xi32>
    %broadcast_in_dim3A_73 = vector.shape_cast %reduce_min3A_72 : vector<1024xi32> to vector<1x1024xi32>
    %eq3A_74 = vector.broadcast %broadcast_in_dim3A_73 : vector<1x1024xi32> to vector<392x1024xi32>
    %eq3A_75 = arith.cmpi eq, %iota3A, %eq3A_74 : vector<392x1024xi32>
    %jit3A_76 = arith.constant -1.000000e+30 : f32
    %broadcast_in_dim3A_77 = vector.broadcast %jit3A_76 : f32 to vector<392x1024xf32>
    %select_n3A_78 = arith.select %eq3A_75, %broadcast_in_dim3A_77, %select_n3A_55 : vector<392x1024xi1>, vector<392x1024xf32>
    %mul3A_79 = arith.constant 1024 : i32
    %mul3A_80 = vector.broadcast %mul3A_79 : i32 to vector<1x1024xi32>
    %mul3A_81 = arith.muli %broadcast_in_dim3A_73, %mul3A_80 : vector<1x1024xi32>
    %add3A_82 = arith.addi %mul3A_81, %iota3A_2 : vector<1x1024xi32>
    %swap3A_83 = arith.constant 3 : index
    %swap3A_84 = arith.constant 0 : index
    %swap3A_85 = vector.load %arg1[%swap3A_83, %swap3A_84] : memref<8x1024xi32, #tpu.memory_space<vmem>>, vector<1x1024xi32>
    tpu.vector_store %arg1[%swap3A_83, %swap3A_84], %add3A_82 {strides = array<i32>} : memref<8x1024xi32, #tpu.memory_space<vmem>>, vector<1x1024xi32>,
    %reduce_max3A_86 = arith.constant dense<0xFF800000> : vector<1024xf32>
    %reduce_max3A_87 = vector.multi_reduction <maximumf>, %select_n3A_78, %reduce_max3A_86 [0] : vector<392x1024xf32> to vector<1024xf32>
    %broadcast_in_dim3A_88 = vector.shape_cast %reduce_max3A_87 : vector<1024xf32> to vector<1x1024xf32>
    %eq3A_89 = vector.broadcast %broadcast_in_dim3A_88 : vector<1x1024xf32> to vector<392x1024xf32>
    %eq3A_90 = arith.cmpf oeq, %select_n3A_78, %eq3A_89 : vector<392x1024xf32>
    %jit3A_91 = arith.constant 392 : i32
    %broadcast_in_dim3A_92 = vector.broadcast %jit3A_91 : i32 to vector<392x1024xi32>
    %select_n3A_93 = arith.select %eq3A_90, %iota3A, %broadcast_in_dim3A_92 : vector<392x1024xi1>, vector<392x1024xi32>
    %reduce_min3A_94 = arith.constant dense<2147483647> : vector<1024xi32>
    %reduce_min3A_95 = vector.multi_reduction <minsi>, %select_n3A_93, %reduce_min3A_94 [0] : vector<392x1024xi32> to vector<1024xi32>
    %broadcast_in_dim3A_96 = vector.shape_cast %reduce_min3A_95 : vector<1024xi32> to vector<1x1024xi32>
    %mul3A_97 = arith.constant 1024 : i32
    %mul3A_98 = vector.broadcast %mul3A_97 : i32 to vector<1x1024xi32>
    %mul3A_99 = arith.muli %broadcast_in_dim3A_96, %mul3A_98 : vector<1x1024xi32>
    %add3A_100 = arith.addi %mul3A_99, %iota3A_2 : vector<1x1024xi32>
    %swap3A_101 = arith.constant 4 : index
    %swap3A_102 = arith.constant 0 : index
    %swap3A_103 = vector.load %arg1[%swap3A_101, %swap3A_102] : memref<8x1024xi32, #tpu.memory_space<vmem>>, vector<1x1024xi32>
    tpu.vector_store %arg1[%swap3A_101, %swap3A_102], %add3A_100 {strides = array<i32>} : memref<8x1024xi32, #tpu.memory_space<vmem>>, vector<1x1024xi32>,
    %broadcast_in_dim3A_104 = arith.constant 0 : i32
    %broadcast_in_dim3A_105 = vector.broadcast %broadcast_in_dim3A_104 : i32 to vector<3x1024xi32>
    %swap3A_106 = arith.constant 5 : index
    %swap3A_107 = arith.constant 0 : index
    %swap3A_108 = vector.load %arg1[%swap3A_106, %swap3A_107] : memref<8x1024xi32, #tpu.memory_space<vmem>>, vector<3x1024xi32>
    tpu.vector_store %arg1[%swap3A_106, %swap3A_107], %broadcast_in_dim3A_105 {strides = array<i32>} : memref<8x1024xi32, #tpu.memory_space<vmem>>, vector<3x1024xi32>,
    return
  }
}

module attributes {stable_mosaic.version = 14 : i64} {
  func.func @_final_kernel(%arg0: memref<1024x32xf32, #tpu.memory_space<vmem>>, %arg1: memref<1024x32xf32, #tpu.memory_space<vmem>>, %arg2: memref<5120x256xf32, #tpu.memory_space<vmem>>, %arg3: memref<1024x1xf32, #tpu.memory_space<vmem>>, %arg4: memref<8x16xf32, #tpu.memory_space<vmem>>, %arg5: memref<1x16xf32, #tpu.memory_space<vmem>>, %arg6: memref<16x1xf32, #tpu.memory_space<vmem>>, %arg7: memref<1x1xf32, #tpu.memory_space<vmem>>, %arg8: memref<1024x6xf32, #tpu.memory_space<vmem>>, %arg9: memref<1024x1xf32, #tpu.memory_space<vmem>>) attributes {dimension_semantics = [], scalar_prefetch = 0 : i64, scratch_operands = 0 : i64, tpu.core_type = #tpu.core_type<tc>} {
    %get3A = arith.constant 0 : index
    %get3A_0 = arith.constant 0 : index
    %get3A_1 = vector.load %arg0[%get3A, %get3A_0] : memref<1024x32xf32, #tpu.memory_space<vmem>>, vector<1024x32xf32>
    %mul3A = arith.mulf %get3A_1, %get3A_1 : vector<1024x32xf32>
    %reduce_sum3A = arith.constant dense<0.000000e+00> : vector<1024xf32>
    %reduce_sum3A_2 = vector.multi_reduction <add>, %mul3A, %reduce_sum3A [1] : vector<1024x32xf32> to vector<1024xf32>
    %broadcast_in_dim3A = vector.shape_cast %reduce_sum3A_2 : vector<1024xf32> to vector<1024x1xf32>
    %max3A = arith.constant 1.000000e-24 : f32
    %max3A_3 = vector.broadcast %max3A : f32 to vector<1024x1xf32>
    %max3A_4 = arith.maximumf %broadcast_in_dim3A, %max3A_3 : vector<1024x1xf32>
    %rsqrt3A = math.rsqrt %max3A_4 : vector<1024x1xf32>
    %mul3A_5 = vector.broadcast %rsqrt3A : vector<1024x1xf32> to vector<1024x32xf32>
    %mul3A_6 = arith.mulf %get3A_1, %mul3A_5 : vector<1024x32xf32>
    %get3A_7 = arith.constant 0 : index
    %get3A_8 = arith.constant 0 : index
    %get3A_9 = vector.load %arg1[%get3A_7, %get3A_8] : memref<1024x32xf32, #tpu.memory_space<vmem>>, vector<1024x32xf32>
    %mul3A_10 = arith.mulf %get3A_9, %get3A_9 : vector<1024x32xf32>
    %reduce_sum3A_11 = arith.constant dense<0.000000e+00> : vector<1024xf32>
    %reduce_sum3A_12 = vector.multi_reduction <add>, %mul3A_10, %reduce_sum3A_11 [1] : vector<1024x32xf32> to vector<1024xf32>
    %broadcast_in_dim3A_13 = vector.shape_cast %reduce_sum3A_12 : vector<1024xf32> to vector<1024x1xf32>
    %max3A_14 = arith.constant 1.000000e-24 : f32
    %max3A_15 = vector.broadcast %max3A_14 : f32 to vector<1024x1xf32>
    %max3A_16 = arith.maximumf %broadcast_in_dim3A_13, %max3A_15 : vector<1024x1xf32>
    %rsqrt3A_17 = math.rsqrt %max3A_16 : vector<1024x1xf32>
    %mul3A_18 = vector.broadcast %rsqrt3A_17 : vector<1024x1xf32> to vector<1024x32xf32>
    %mul3A_19 = arith.mulf %get3A_9, %mul3A_18 : vector<1024x32xf32>
    %dot_general3A = arith.constant dense<0.000000e+00> : vector<1024x1024xf32>
    %dot_general3A_20 = tpu.matmul %mul3A_6, %mul3A_19, %dot_general3A {dimension_numbers = #tpu.dot_dimension_numbers<[1], [1], [0], [0], [0, 0, 1, 0], [], []>, transpose_lhs_hint = false} : vector<1024x32xf32>, vector<1024x32xf32>, vector<1024x1024xf32> -> vector<1024x1024xf32>
    %iota3A = tpu.iota {dimensions = array<i32: 1>} : vector<1024x1024xi32>
    %lt3A = arith.constant 1000 : i32
    %lt3A_21 = vector.broadcast %lt3A : i32 to vector<1024x1024xi32>
    %lt3A_22 = arith.cmpi slt, %iota3A, %lt3A_21 : vector<1024x1024xi32>
    %jit3A = arith.constant -1.000000e+30 : f32
    %broadcast_in_dim3A_23 = vector.broadcast %jit3A : f32 to vector<1024x1024xf32>
    %select_n3A = arith.select %lt3A_22, %dot_general3A_20, %broadcast_in_dim3A_23 : vector<1024x1024xi1>, vector<1024x1024xf32>
    %reduce_max3A = arith.constant dense<0xFF800000> : vector<1024xf32>
    %reduce_max3A_24 = vector.multi_reduction <maximumf>, %select_n3A, %reduce_max3A [1] : vector<1024x1024xf32> to vector<1024xf32>
    %broadcast_in_dim3A_25 = vector.shape_cast %reduce_max3A_24 : vector<1024xf32> to vector<1024x1xf32>
    %reduce_sum3A_26 = arith.constant dense<0.000000e+00> : vector<1024xf32>
    %reduce_sum3A_27 = vector.multi_reduction <add>, %dot_general3A_20, %reduce_sum3A_26 [1] : vector<1024x1024xf32> to vector<1024xf32>
    %broadcast_in_dim3A_28 = vector.shape_cast %reduce_sum3A_27 : vector<1024xf32> to vector<1024x1xf32>
    %div3A = arith.constant 1.000000e+03 : f32
    %div3A_29 = vector.broadcast %div3A : f32 to vector<1024x1xf32>
    %div3A_30 = arith.divf %broadcast_in_dim3A_28, %div3A_29 : vector<1024x1xf32>
    %get3A_31 = arith.constant 0 : index
    %get3A_32 = arith.constant 0 : index
    %get3A_33 = vector.load %arg2[%get3A_31, %get3A_32] : memref<5120x256xf32, #tpu.memory_space<vmem>>, vector<1024x256xf32>
    %get3A_34 = arith.constant 1024 : index
    %get3A_35 = arith.constant 0 : index
    %get3A_36 = vector.load %arg2[%get3A_34, %get3A_35] : memref<5120x256xf32, #tpu.memory_space<vmem>>, vector<1024x256xf32>
    %get3A_37 = arith.constant 2048 : index
    %get3A_38 = arith.constant 0 : index
    %get3A_39 = vector.load %arg2[%get3A_37, %get3A_38] : memref<5120x256xf32, #tpu.memory_space<vmem>>, vector<1024x256xf32>
    %get3A_40 = arith.constant 3072 : index
    %get3A_41 = arith.constant 0 : index
    %get3A_42 = vector.load %arg2[%get3A_40, %get3A_41] : memref<5120x256xf32, #tpu.memory_space<vmem>>, vector<1024x256xf32>
    %get3A_43 = arith.constant 4096 : index
    %get3A_44 = arith.constant 0 : index
    %get3A_45 = vector.load %arg2[%get3A_43, %get3A_44] : memref<5120x256xf32, #tpu.memory_space<vmem>>, vector<1024x256xf32>
    %concatenate3A = tpu.concatenate %get3A_33, %get3A_36, %get3A_39, %get3A_42, %get3A_45 in 1 : vector<1024x256xf32>, vector<1024x256xf32>, vector<1024x256xf32>, vector<1024x256xf32>, vector<1024x256xf32> -> vector<1024x1280xf32>
    %iota3A_46 = tpu.iota {dimensions = array<i32: 1>} : vector<1024x1280xi32>
    %reduce_max3A_47 = arith.constant dense<0xFF800000> : vector<1024xf32>
    %reduce_max3A_48 = vector.multi_reduction <maximumf>, %concatenate3A, %reduce_max3A_47 [1] : vector<1024x1280xf32> to vector<1024xf32>
    %broadcast_in_dim3A_49 = vector.shape_cast %reduce_max3A_48 : vector<1024xf32> to vector<1024x1xf32>
    %eq3A = vector.broadcast %broadcast_in_dim3A_49 : vector<1024x1xf32> to vector<1024x1280xf32>
    %eq3A_50 = arith.cmpf oeq, %concatenate3A, %eq3A : vector<1024x1280xf32>
    %jit3A_51 = arith.constant 1280 : i32
    %broadcast_in_dim3A_52 = vector.broadcast %jit3A_51 : i32 to vector<1024x1280xi32>
    %select_n3A_53 = arith.select %eq3A_50, %iota3A_46, %broadcast_in_dim3A_52 : vector<1024x1280xi1>, vector<1024x1280xi32>
    %reduce_min3A = arith.constant dense<2147483647> : vector<1024xi32>
    %reduce_min3A_54 = vector.multi_reduction <minsi>, %select_n3A_53, %reduce_min3A [1] : vector<1024x1280xi32> to vector<1024xi32>
    %broadcast_in_dim3A_55 = vector.shape_cast %reduce_min3A_54 : vector<1024xi32> to vector<1024x1xi32>
    %eq3A_56 = vector.broadcast %broadcast_in_dim3A_55 : vector<1024x1xi32> to vector<1024x1280xi32>
    %eq3A_57 = arith.cmpi eq, %iota3A_46, %eq3A_56 : vector<1024x1280xi32>
    %jit3A_58 = arith.constant -1.000000e+30 : f32
    %broadcast_in_dim3A_59 = vector.broadcast %jit3A_58 : f32 to vector<1024x1280xf32>
    %select_n3A_60 = arith.select %eq3A_57, %broadcast_in_dim3A_59, %concatenate3A : vector<1024x1280xi1>, vector<1024x1280xf32>
    %reduce_max3A_61 = arith.constant dense<0xFF800000> : vector<1024xf32>
    %reduce_max3A_62 = vector.multi_reduction <maximumf>, %select_n3A_60, %reduce_max3A_61 [1] : vector<1024x1280xf32> to vector<1024xf32>
    %broadcast_in_dim3A_63 = vector.shape_cast %reduce_max3A_62 : vector<1024xf32> to vector<1024x1xf32>
    %eq3A_64 = vector.broadcast %broadcast_in_dim3A_63 : vector<1024x1xf32> to vector<1024x1280xf32>
    %eq3A_65 = arith.cmpf oeq, %select_n3A_60, %eq3A_64 : vector<1024x1280xf32>
    %jit3A_66 = arith.constant 1280 : i32
    %broadcast_in_dim3A_67 = vector.broadcast %jit3A_66 : i32 to vector<1024x1280xi32>
    %select_n3A_68 = arith.select %eq3A_65, %iota3A_46, %broadcast_in_dim3A_67 : vector<1024x1280xi1>, vector<1024x1280xi32>
    %reduce_min3A_69 = arith.constant dense<2147483647> : vector<1024xi32>
    %reduce_min3A_70 = vector.multi_reduction <minsi>, %select_n3A_68, %reduce_min3A_69 [1] : vector<1024x1280xi32> to vector<1024xi32>
    %broadcast_in_dim3A_71 = vector.shape_cast %reduce_min3A_70 : vector<1024xi32> to vector<1024x1xi32>
    %eq3A_72 = vector.broadcast %broadcast_in_dim3A_71 : vector<1024x1xi32> to vector<1024x1280xi32>
    %eq3A_73 = arith.cmpi eq, %iota3A_46, %eq3A_72 : vector<1024x1280xi32>
    %jit3A_74 = arith.constant -1.000000e+30 : f32
    %broadcast_in_dim3A_75 = vector.broadcast %jit3A_74 : f32 to vector<1024x1280xf32>
    %select_n3A_76 = arith.select %eq3A_73, %broadcast_in_dim3A_75, %select_n3A_60 : vector<1024x1280xi1>, vector<1024x1280xf32>
    %reduce_max3A_77 = arith.constant dense<0xFF800000> : vector<1024xf32>
    %reduce_max3A_78 = vector.multi_reduction <maximumf>, %select_n3A_76, %reduce_max3A_77 [1] : vector<1024x1280xf32> to vector<1024xf32>
    %broadcast_in_dim3A_79 = vector.shape_cast %reduce_max3A_78 : vector<1024xf32> to vector<1024x1xf32>
    %eq3A_80 = vector.broadcast %broadcast_in_dim3A_79 : vector<1024x1xf32> to vector<1024x1280xf32>
    %eq3A_81 = arith.cmpf oeq, %select_n3A_76, %eq3A_80 : vector<1024x1280xf32>
    %jit3A_82 = arith.constant 1280 : i32
    %broadcast_in_dim3A_83 = vector.broadcast %jit3A_82 : i32 to vector<1024x1280xi32>
    %select_n3A_84 = arith.select %eq3A_81, %iota3A_46, %broadcast_in_dim3A_83 : vector<1024x1280xi1>, vector<1024x1280xi32>
    %reduce_min3A_85 = arith.constant dense<2147483647> : vector<1024xi32>
    %reduce_min3A_86 = vector.multi_reduction <minsi>, %select_n3A_84, %reduce_min3A_85 [1] : vector<1024x1280xi32> to vector<1024xi32>
    %broadcast_in_dim3A_87 = vector.shape_cast %reduce_min3A_86 : vector<1024xi32> to vector<1024x1xi32>
    %eq3A_88 = vector.broadcast %broadcast_in_dim3A_87 : vector<1024x1xi32> to vector<1024x1280xi32>
    %eq3A_89 = arith.cmpi eq, %iota3A_46, %eq3A_88 : vector<1024x1280xi32>
    %jit3A_90 = arith.constant -1.000000e+30 : f32
    %broadcast_in_dim3A_91 = vector.broadcast %jit3A_90 : f32 to vector<1024x1280xf32>
    %select_n3A_92 = arith.select %eq3A_89, %broadcast_in_dim3A_91, %select_n3A_76 : vector<1024x1280xi1>, vector<1024x1280xf32>
    %reduce_max3A_93 = arith.constant dense<0xFF800000> : vector<1024xf32>
    %reduce_max3A_94 = vector.multi_reduction <maximumf>, %select_n3A_92, %reduce_max3A_93 [1] : vector<1024x1280xf32> to vector<1024xf32>
    %broadcast_in_dim3A_95 = vector.shape_cast %reduce_max3A_94 : vector<1024xf32> to vector<1024x1xf32>
    %eq3A_96 = vector.broadcast %broadcast_in_dim3A_95 : vector<1024x1xf32> to vector<1024x1280xf32>
    %eq3A_97 = arith.cmpf oeq, %select_n3A_92, %eq3A_96 : vector<1024x1280xf32>
    %jit3A_98 = arith.constant 1280 : i32
    %broadcast_in_dim3A_99 = vector.broadcast %jit3A_98 : i32 to vector<1024x1280xi32>
    %select_n3A_100 = arith.select %eq3A_97, %iota3A_46, %broadcast_in_dim3A_99 : vector<1024x1280xi1>, vector<1024x1280xi32>
    %reduce_min3A_101 = arith.constant dense<2147483647> : vector<1024xi32>
    %reduce_min3A_102 = vector.multi_reduction <minsi>, %select_n3A_100, %reduce_min3A_101 [1] : vector<1024x1280xi32> to vector<1024xi32>
    %broadcast_in_dim3A_103 = vector.shape_cast %reduce_min3A_102 : vector<1024xi32> to vector<1024x1xi32>
    %eq3A_104 = vector.broadcast %broadcast_in_dim3A_103 : vector<1024x1xi32> to vector<1024x1280xi32>
    %eq3A_105 = arith.cmpi eq, %iota3A_46, %eq3A_104 : vector<1024x1280xi32>
    %jit3A_106 = arith.constant -1.000000e+30 : f32
    %broadcast_in_dim3A_107 = vector.broadcast %jit3A_106 : f32 to vector<1024x1280xf32>
    %select_n3A_108 = arith.select %eq3A_105, %broadcast_in_dim3A_107, %select_n3A_92 : vector<1024x1280xi1>, vector<1024x1280xf32>
    %reduce_max3A_109 = arith.constant dense<0xFF800000> : vector<1024xf32>
    %reduce_max3A_110 = vector.multi_reduction <maximumf>, %select_n3A_108, %reduce_max3A_109 [1] : vector<1024x1280xf32> to vector<1024xf32>
    %broadcast_in_dim3A_111 = vector.shape_cast %reduce_max3A_110 : vector<1024xf32> to vector<1024x1xf32>
    %add3A = arith.addf %broadcast_in_dim3A_49, %broadcast_in_dim3A_63 : vector<1024x1xf32>
    %add3A_112 = arith.addf %add3A, %broadcast_in_dim3A_79 : vector<1024x1xf32>
    %add3A_113 = arith.addf %add3A_112, %broadcast_in_dim3A_95 : vector<1024x1xf32>
    %add3A_114 = arith.addf %add3A_113, %broadcast_in_dim3A_111 : vector<1024x1xf32>
    %mul3A_115 = arith.constant 2.000000e-01 : f32
    %mul3A_116 = vector.broadcast %mul3A_115 : f32 to vector<1024x1xf32>
    %mul3A_117 = arith.mulf %add3A_114, %mul3A_116 : vector<1024x1xf32>
    %get3A_118 = arith.constant 0 : index
    %get3A_119 = arith.constant 0 : index
    %get3A_120 = vector.load %arg3[%get3A_118, %get3A_119] : memref<1024x1xf32, #tpu.memory_space<vmem>>, vector<1024x1xf32>
    %div3A_121 = arith.constant 1.000000e+05 : f32
    %div3A_122 = vector.broadcast %div3A_121 : f32 to vector<1024x1xf32>
    %div3A_123 = arith.divf %get3A_120, %div3A_122 : vector<1024x1xf32>
    %mul3A_124 = arith.mulf %get3A_1, %get3A_1 : vector<1024x32xf32>
    %reduce_sum3A_125 = arith.constant dense<0.000000e+00> : vector<1024xf32>
    %reduce_sum3A_126 = vector.multi_reduction <add>, %mul3A_124, %reduce_sum3A_125 [1] : vector<1024x32xf32> to vector<1024xf32>
    %broadcast_in_dim3A_127 = vector.shape_cast %reduce_sum3A_126 : vector<1024xf32> to vector<1024x1xf32>
    %sqrt3A = math.sqrt %broadcast_in_dim3A_127 : vector<1024x1xf32>
    %broadcast_in_dim3A_128 = arith.constant 0.000000e+00 : f32
    %broadcast_in_dim3A_129 = vector.broadcast %broadcast_in_dim3A_128 : f32 to vector<1024x1xf32>
    %concatenate3A_130 = tpu.concatenate %broadcast_in_dim3A_25, %div3A_30, %broadcast_in_dim3A_49, %mul3A_117, %div3A_123, %sqrt3A, %broadcast_in_dim3A_129, %broadcast_in_dim3A_129 in 1 : vector<1024x1xf32>, vector<1024x1xf32>, vector<1024x1xf32>, vector<1024x1xf32>, vector<1024x1xf32>, vector<1024x1xf32>, vector<1024x1xf32>, vector<1024x1xf32> -> vector<1024x8xf32>
    %add3A_131 = arith.addf %broadcast_in_dim3A_25, %div3A_30 : vector<1024x1xf32>
    %add3A_132 = arith.addf %add3A_131, %broadcast_in_dim3A_49 : vector<1024x1xf32>
    %add3A_133 = arith.addf %add3A_132, %mul3A_117 : vector<1024x1xf32>
    %mul3A_134 = arith.constant 2.500000e-01 : f32
    %mul3A_135 = vector.broadcast %mul3A_134 : f32 to vector<1024x1xf32>
    %mul3A_136 = arith.mulf %add3A_133, %mul3A_135 : vector<1024x1xf32>
    %get3A_137 = arith.constant 0 : index
    %get3A_138 = arith.constant 0 : index
    %get3A_139 = vector.load %arg4[%get3A_137, %get3A_138] : memref<8x16xf32, #tpu.memory_space<vmem>>, vector<8x16xf32>
    %dot_general3A_140 = arith.constant dense<0.000000e+00> : vector<1024x16xf32>
    %dot_general3A_141 = tpu.matmul %concatenate3A_130, %get3A_139, %dot_general3A_140 {dimension_numbers = #tpu.dot_dimension_numbers<[1], [0], [0], [1], [0, 0, 1, 1], [], []>, transpose_lhs_hint = false} : vector<1024x8xf32>, vector<8x16xf32>, vector<1024x16xf32> -> vector<1024x16xf32>
    %get3A_142 = arith.constant 0 : index
    %get3A_143 = arith.constant 0 : index
    %get3A_144 = vector.load %arg5[%get3A_142, %get3A_143] : memref<1x16xf32, #tpu.memory_space<vmem>>, vector<1x16xf32>
    %add3A_145 = vector.broadcast %get3A_144 : vector<1x16xf32> to vector<1024x16xf32>
    %add3A_146 = arith.addf %dot_general3A_141, %add3A_145 : vector<1024x16xf32>
    %max3A_147 = arith.constant 0.000000e+00 : f32
    %max3A_148 = vector.broadcast %max3A_147 : f32 to vector<1024x16xf32>
    %max3A_149 = arith.maximumf %add3A_146, %max3A_148 : vector<1024x16xf32>
    %get3A_150 = arith.constant 0 : index
    %get3A_151 = arith.constant 0 : index
    %get3A_152 = vector.load %arg6[%get3A_150, %get3A_151] : memref<16x1xf32, #tpu.memory_space<vmem>>, vector<16x1xf32>
    %dot_general3A_153 = arith.constant dense<0.000000e+00> : vector<1024x1xf32>
    %dot_general3A_154 = tpu.matmul %max3A_149, %get3A_152, %dot_general3A_153 {dimension_numbers = #tpu.dot_dimension_numbers<[1], [0], [0], [1], [0, 0, 1, 1], [], []>, transpose_lhs_hint = false} : vector<1024x16xf32>, vector<16x1xf32>, vector<1024x1xf32> -> vector<1024x1xf32>
    %get3A_155 = arith.constant 0 : index
    %get3A_156 = arith.constant 0 : index
    %get3A_157 = vector.load %arg7[%get3A_155, %get3A_156] : memref<1x1xf32, #tpu.memory_space<vmem>>, vector<1x1xf32>
    %add3A_158 = vector.broadcast %get3A_157 : vector<1x1xf32> to vector<1024x1xf32>
    %add3A_159 = arith.addf %dot_general3A_154, %add3A_158 : vector<1024x1xf32>
    %slice3A = vector.extract_strided_slice %concatenate3A_130 {offsets = [0, 0], sizes = [1024, 6], strides = [1, 1]} : vector<1024x8xf32> to vector<1024x6xf32>
    %swap3A = arith.constant 0 : index
    %swap3A_160 = arith.constant 0 : index
    %swap3A_161 = vector.load %arg8[%swap3A, %swap3A_160] : memref<1024x6xf32, #tpu.memory_space<vmem>>, vector<1024x6xf32>
    tpu.vector_store %arg8[%swap3A, %swap3A_160], %slice3A {strides = array<i32>} : memref<1024x6xf32, #tpu.memory_space<vmem>>, vector<1024x6xf32>,
    %add3A_162 = arith.addf %mul3A_136, %add3A_159 : vector<1024x1xf32>
    %swap3A_163 = arith.constant 0 : index
    %swap3A_164 = arith.constant 0 : index
    %swap3A_165 = vector.load %arg9[%swap3A_163, %swap3A_164] : memref<1024x1xf32, #tpu.memory_space<vmem>>, vector<1024x1xf32>
    tpu.vector_store %arg9[%swap3A_163, %swap3A_164], %add3A_162 {strides = array<i32>} : memref<1024x1xf32, #tpu.memory_space<vmem>>, vector<1024x1xf32>,
    return
  }
}

</mosaic_0001>

<sc_bundles>
// kernel: kernel.6.cloned.1.call-start
scs
__scs_entry_jumppad:
0x0: {  	(pc) =	sbr.rel $0x88, $3  }
0x1: {  	(tag) =	ssettag $0x0;
	lr =	simm.s32 $0x1  }
0x2: {  	[smem:$0x3F9A] =	sst lr;
	_ =	strace $0xD0000000  }
0x3: {  	_ = 	snop  }
0x4: {  	_ = 	snop  }
0x5: {  	_ = 	snop  }
0x6: {  	_ = 	snop  }
0x7: {  	_ = 	snop  }
__scs_overlays_trampoline_lowered:
0x8: {  	[smem:$0x3FA9] =	sst s0  }
0x9: {  	[smem:$0x3FAA] =	sst s1  }
0xa: {  	[smem:$0x3FAB] =	sst s2  }
0xb: {  	[smem:$0x3FAC] =	sst s3  }
0xc: {  	[smem:$0x3FAD] =	sst s4  }
0xd: {  	[smem:$0x3FAE] =	sst s5  }
0xe: {  	[smem:$0x3FAF] =	sst s6  }
0xf: {  	[smem:$0x3FB0] =	sst s7  }
0x10: {  	[smem:$0x3FB1] =	sst s8  }
0x11: {  	[smem:$0x3FB2] =	sst s9;
	s0 =	simm.s32 @!p0 $0x0  }
0x12: {  	s1 =	sld [smem:$0x3F98];
	s0 =	simm.s32 @p0 $0x1  }
0x13: {  	[smem:$0x3FB3] =	sst s0;
	s0 =	simm.s32 @!p1 $0x0  }
0x14: {  	s2 =	sld [smem:$0x3F97];
	s0 =	simm.s32 @p1 $0x1  }
0x15: {  	[smem:$0x3FB4] =	sst s0;
	s0 =	simm.s32 @!p2 $0x0  }
0x16: {  	s3 =	sld [smem:$0x3FDB];
	s0 =	simm.s32 @p2 $0x1  }
0x17: {  	s4 =	simm.s32 $0x1BF5;
	[smem:$0x3FB6] =	sst s0  }
0x18: {  	s0 =	sld [smem:$0x3F99];
	_ =	swait.ge [sflag:s4], $0x0  }
0x19: {  	s7 =	sld [smem:$0x3F9A]  }
0x1a: {  	s8 =	sadd.s32 $0xFFFFE003, lr  }
0x1b: {  	s9 =	sadd.s32 $0xFFFFFEF7, lr;
	s5 =	simm.s32 $0xFFFFFFFF;
	p2 =	slt.u32 s8, $0xFFFFF086  }
0x1c: {  	p1 =	slt.u32 s9, $0xF7A;
	s5 =	simm.s32 @!p2 $0x0  }
0x1d: {  	s5 =	simm.s32 @p1 $0x1;
	p0 =	seq.s32 s7, s2  }
0x1e: {  	s7 =	smul.u32 @!p0 $0xF7A, s2;
	p2 =	seq.s32 @!p0 s5, $0x0  }
0x1f: {  	s9 =	smul.u32 $0xF7A, s1;
	s8 =	simm.s32 @!p0 $0x1BF5;
	p2 =	por !p2, p0  }
0x20: {  	[sflag:s8] =	ssyncset.s32 @!p0 $0xFFFFF086;
	s6 =	sadd.s32 @!p0 s3, s7;
	s7 =	simm.s32 @!p0 $0x108  }
0x21: {  	s3 =	sadd.s32 s3, s9;
	s6 =	sadd.s32 @!p0 $0x88, s6;
	s7 =	simm.s32 @p2 $0x1082  }
0x22: {  	[simem:s7], [sflag:s8] =	dma.local @!p0 [hbm:s6], $0xF7A  }
0x23: {  	s9 =	sor.u32 $0xD0000000, s2;
	s6 =	simm.s32 $0x108;
	_ =	swait.ge @!p0 [sflag:s8], $0x0  }
0x24: {  	s3 =	sadd.s32 $0x88, s3;
	s6 =	simm.s32 @!p1 $0x1082;
	[sflag:s4] =	ssyncset.s32 $0xFFFFF086  }
0x25: {  	[simem:s6], [sflag:s4] =	dma.local [hbm:s3], $0xF7A  }
0x26: {  	[smem:$0x3F9A] =	sst s1;
	(tag) =	ssettag s2;
	_ =	strace s9  }
0x27: {  	s1 =	sld [smem:$0x3FAA]  }
0x28: {  	s2 =	sld [smem:$0x3FAB]  }
0x29: {  	s4 =	sld [smem:$0x3FAD]  }
0x2a: {  	p0 =	seq.s32 s5, $0x0;
	s5 =	sld [smem:$0x3FAE]  }
0x2b: {  	s6 =	sld [smem:$0x3FAF]  }
0x2c: {  	s7 =	sld [smem:$0x3FB0]  }
0x2d: {  	s3 =	simm.s32 $0x108;
	s8 =	sld [smem:$0x3FB1]  }
0x2e: {  	s3 =	simm.s32 @!p0 $0x1082;
	s9 =	sld [smem:$0x3FB2]  }
0x2f: {  	lr =	sadd.s32 s0, s3;
	s0 =	sld [smem:$0x3FA9]  }
0x30: {  	s3 =	sld [smem:$0x3FAC]  }
0x31: {  	[smem:$0x3FB5] =	sst s10  }
0x32: {  	s10 =	sld [smem:$0x3FB3];
	_ =	sdelay $0x3  }
0x33: {  	p0 =	seq.s32 s10, $0x1;
	s10 =	sld [smem:$0x3FB5];
	_ =	sdelay $0x3  }
0x34: {  	[smem:$0x3FB5] =	sst s10  }
0x35: {  	s10 =	sld [smem:$0x3FB4];
	_ =	sdelay $0x3  }
0x36: {  	p1 =	seq.s32 s10, $0x1;
	s10 =	sld [smem:$0x3FB5];
	_ =	sdelay $0x3  }
0x37: {  	[smem:$0x3FB5] =	sst s10  }
0x38: {  	s10 =	sld [smem:$0x3FB6]  }
0x39: {  	_ = 	snop;
	(pc) =	sbr.ind lr, $3  }
0x3a: {  	_ = 	snop  }
0x3b: {  	_ = 	snop  }
0x3c: {  	p2 =	seq.s32 s10, $0x1;
	s10 =	sld [smem:$0x3FB5]  }
0x3d: {  	_ =	shalt  }
0x3e: {  	_ =	shalt  }
0x3f: {  	_ =	shalt  }
0x40: {  	_ =	shalt  }
0x41: {  	_ =	shalt  }
0x42: {  	_ =	shalt  }
0x43: {  	_ =	shalt  }
0x44: {  	_ =	shalt  }
0x45: {  	_ =	shalt  }
0x46: {  	_ =	shalt  }
0x47: {  	_ =	shalt  }
0x48: {  	_ =	shalt  }
0x49: {  	_ =	shalt  }
0x4a: {  	_ =	shalt  }
0x4b: {  	_ =	shalt  }
0x4c: {  	_ =	shalt  }
0x4d: {  	_ =	shalt  }
0x4e: {  	_ =	shalt  }
0x4f: {  	_ =	shalt  }
0x50: {  	_ =	shalt  }
0x51: {  	_ =	shalt  }
0x52: {  	_ =	shalt  }
0x53: {  	_ =	shalt  }
0x54: {  	_ =	shalt  }
0x55: {  	_ =	shalt  }
0x56: {  	_ =	shalt  }
0x57: {  	_ =	shalt  }
0x58: {  	_ =	shalt  }
0x59: {  	_ =	shalt  }
0x5a: {  	_ =	shalt  }
0x5b: {  	_ =	shalt  }
0x5c: {  	_ =	shalt  }
0x5d: {  	_ =	shalt  }
0x5e: {  	_ =	shalt  }
0x5f: {  	_ =	shalt  }
0x60: {  	_ =	shalt  }
0x61: {  	_ =	shalt  }
0x62: {  	_ =	shalt  }
0x63: {  	_ =	shalt  }
0x64: {  	_ =	shalt  }
0x65: {  	_ =	shalt  }
0x66: {  	_ =	shalt  }
0x67: {  	_ =	shalt  }
0x68: {  	_ =	shalt  }
0x69: {  	_ =	shalt  }
0x6a: {  	_ =	shalt  }
0x6b: {  	_ =	shalt  }
0x6c: {  	_ =	shalt  }
0x6d: {  	_ =	shalt  }
0x6e: {  	_ =	shalt  }
0x6f: {  	_ =	shalt  }
0x70: {  	_ =	shalt  }
0x71: {  	_ =	shalt  }
0x72: {  	_ =	shalt  }
0x73: {  	_ =	shalt  }
0x74: {  	_ =	shalt  }
0x75: {  	_ =	shalt  }
0x76: {  	_ =	shalt  }
0x77: {  	_ =	shalt  }
0x78: {  	_ =	shalt  }
0x79: {  	_ =	shalt  }
0x7a: {  	_ =	shalt  }
0x7b: {  	_ =	shalt  }
0x7c: {  	_ =	shalt  }
0x7d: {  	_ =	shalt  }
0x7e: {  	_ =	shalt  }
0x7f: {  	_ =	shalt  }
0x80: {  	_ =	shalt  }
0x81: {  	_ =	shalt  }
0x82: {  	_ =	shalt  }
0x83: {  	_ =	shalt  }
0x84: {  	_ =	shalt  }
0x85: {  	_ =	shalt  }
0x86: {  	_ =	shalt  }
0x87: {  	_ =	shalt  }
.Lfunc_end0:
.L_simem_size_0:
called_computation_lowered:
.L_overlay_start_0:
0x88: {  	s2 =	sld [smem:$0x3FD9]  }
0x89: {  	s3 =	sld [smem:$0x3FFE];
	_ =	sdelay $0x1  }
0x8a: {  	s1 =	srdreg.scid  }
0x8b: {  	s0 =	sand.u32 $0x1, s1  }
0x8c: {  	s14 =	sshll.u32 s0, $0xA;
	s2 =	sadd.s32 s3, s2  }
0x8d: {  	s2 =	sadd.s32 s2, s14  }
0x8e: {  	[smem:$0x3FC1] =	sst s2  }
0x8f: {  	_ = 	snop  }
0x90: {  	s2 =	sld [smem:$0x3FD0];
	_ =	sdelay $0x2  }
0x91: {  	s15 =	simm.s32 $0xA;
	s4 =	simm.s32 $0x10  }
0x92: {  	[smem:s4], [sflag:s15] =	dma.local [hbm:s2], $0x1  }
0x93: {  	_ =	swait.eq [sflag:s15], $0x1  }
0x94: {  	[sflag:s15] =	ssyncset.done $0x0  }
0x95: {  	[sflag:s15] =	ssyncadd.s32 $0xFFFFFFFF  }
0x96: {  	s16 =	sld [smem:$0x10];
	(tm) =	ssettm $0x1  }
0x97: {  	s17 =	sld [smem:$0x3FFB];
	_ =	sdelay $0x3  }
0x98: {  	_ =	strace s17  }
0x99: {  	s3 =	sld [smem:$0x3FFC];
	_ =	sdelay $0x3  }
0x9a: {  	_ =	strace s3  }
0x9b: {  	s3 =	sld [smem:$0x3FFD];
	_ =	sdelay $0x3  }
0x9c: {  	_ =	strace s3  }
0x9d: {  	_ =	strace $0x8FFFFFFF  }
0x9e: {  	s18 =	sld [smem:$0x3FDB];
	_ =	sdelay $0x1  }
0x9f: {  	s19 =	simm.s32 $_scs_section_size  }
0xa0: {  	s5 =	simm.s32 $_size__tile_overlayer_lowered;
	s6 =	simm.s32 $_tile_overlayer_lowered  }
0xa1: {  	s22 =	simm.s32 $0x1BFF;
	s21 =	sshll.u32 s6, $0x1;
	s3 =	sadd.s32 s19, s18  }
0xa2: {  	s7 =	simm.s32 $0x0;
	s20 =	sshll.u32 s5, $0x1;
	s5 =	sadd.s32 s21, s3  }
0xa3: {  	[timem:s7], [sflag:s22] =	dma.local [hbm:s5], s20  }
0xa4: {  	_ =	swait.ge [sflag:s22], s20  }
0xa5: {  	s4 =	ssub.s32 $0x0, s20;
	[sflag:s22] =	ssyncset.done $0x0  }
0xa6: {  	[sflag:s22] =	ssyncadd.s32 s4;
	_ =	sdelay $0x1  }
0xa7: {  	s23 =	simm.s32 $0x1B8B  }
0xa8: {  	_ =	swait.ge [sflag:s23], $0x1  }
0xa9: {  	[sflag:s23] =	ssyncset.done $0x0  }
0xaa: {  	s25 =	simm.s32 $0x1B8E;
	s24 =	sld [smem:$0x3FFE];
	[sflag:s23] =	ssyncadd.s32 $0xFFFFFFFF  }
0xab: {  	s26 =	simm.s32 $execute0_lowered;
	[smem:$0x3FD2] =	sst s25  }
0xac: {  	s5 =	sshll.u32 s26, $0x1;
	_ =	strace $0x80000046;
	[dreg:$0x1] =	wrdreg $0xFFFFFFFF  }
0xad: {  	s28 =	simm.s32 $_size_execute0_lowered;
	s3 =	sadd.s32 s3, s5;
	[dreg:$0x0] =	wrdreg $0x0  }
0xae: {  	s5 =	sshll.u32 s28, $0x1;
	[dreg:$0x2] =	wrdreg s3  }
0xaf: {  	[dreg:$0x3] =	wrdreg s5  }
0xb0: {  	[dreg:$0x4] =	wrdreg $0xC0  }
0xb1: {  	_ =	task [dreg:s7], $0x5FFFF  }
0xb2: {  	[dreg:$0x1] =	wrdreg $0xFFFFFFFF  }
0xb3: {  	[dreg:$0x0] =	wrdreg $0x60  }
0xb4: {  	[dreg:$0x2] =	wrdreg s24  }
0xb5: {  	[dreg:$0x3] =	wrdreg s16  }
0xb6: {  	[dreg:$0x4] =	wrdreg $0x9  }
0xb7: {  	_ =	task.clear_ibuf [dreg:s7], $0x5FFFF;
	_ =	strace $0x90000046  }
0xb8: {  	s29 =	simm.s32 $0x9;
	_ =	strace $0x80000048  }
0xb9: {  	_ =	swait.ge [sflag:s29], $0x1  }
0xba: {  	[sflag:s29] =	ssyncadd.s32 $0xFFFFFFFF  }
0xbb: {  	_ =	strace $0x90000048  }
0xbc: {  	_ =	sfence  }
0xbd: {  	s30 =	sld [smem:$0x0];
	_ =	sdelay $0x2  }
0xbe: {  	s31 =	sshll.u32 s1, $0xD;
	s1 =	sshrl.u32 s1, $0x2  }
0xbf: {  	s3 =	sand.u32 $0x4000, s31;
	s1 =	sadd.s32 s1, s30  }
0xc0: {  	s0 =	sor.u32 s3, s0;
	s1 =	sshll.u32 s1, $0x11  }
0xc1: {  	s0 =	sor.u32 s1, s0  }
0xc2: {  	s0 =	sadd.s32 $0x8F2B, s0  }
0xc3: {  	[sflag:s0] =	ssyncadd.remote.s32 $0x1  }
0xc4: {  	_ =	sfence.sel $0xFFFF  }
0xc5: {  	[dreg:$0x0] =	wrdreg $0xFFFFFFFF;
	(pc) =	sbr.abs _section_cstart, $3  }
0xc6: {  	[dreg:$0x1] =	wrdreg $0xFFFFFFFF  }
0xc7: {  	_ =	task.clear_ibuf [dreg:s7], $0x2FFFF;
	_ =	strace $0x9FFFFFFF  }
0xc8: {  	(tm) =	ssettm $0x7FFFFFFF  }
0xc9: {  	_ =	shalt  }
tec
execute0_lowered:
.L_overlay_start_1:
0x0: {  	(tag) =	ssettag $0x1  }
0x1: {  	s1 =	srdreg.scid;
	s4 =	rddreg [dreg:$0x0]  }
0x2: {  	s0 =	stileid.u32;
	s5 =	rddreg [dreg:$0x1]  }
0x3: {  	s2 =	simm.s32 $0x0;
	s10 =	simm.s32 $0x1100;
	s11 =	simm.s32 $0x1900  }
0x4: {  	s12 =	simm.s32 $0x2100;
	s13 =	simm.s32 $0x2900;
	s14 =	simm.s32 $0x3100  }
0x5: {  	s15 =	simm.s32 $0x3900;
	s16 =	simm.s32 $0x4100;
	s17 =	simm.s32 $0x4900  }
0x6: {  	s18 =	simm.s32 $0x5100;
	s19 =	simm.s32 $0x5900;
	s20 =	simm.s32 $0x6100  }
0x7: {  	s21 =	simm.s32 $0x6900;
	s22 =	simm.s32 $0x7100;
	s23 =	simm.s32 $0x7900  }
0x8: {  	s24 =	simm.s32 $0x8100;
	s25 =	simm.s32 $0x8900;
	s26 =	simm.s32 $0x9100  }
0x9: {  	s28 =	simm.s32 $0x9900;
	s3 =	sand.u32 $0x1, s1;
	s31 =	sshll.u32 s0, $0x1  }
0xa: {  	s29 =	simm.s32 $0x1;
	s1 =	rddreg [dreg:$0x2];
	s6 =	sor.u32 s3, s31  }
0xb: {  	[smem:$0x7FF] =	sst s2;
	s8 =	ssub.s32 $0x2, s3;
	s7 =	smul.u32 $0x1400, s6  }
0xc: {  	_ =	strace $0x80000047;
	s6 =	smul.u32 $0x14, s6;
	s9 =	sshrl.u32 s8, $0x1  }
0xd: {  	v2 =	vlaneseq.u32;
	s3 =	sadd.s32 $0x5800, s4;
	s8 =	ssub.s32 s8, s9;
	s9 =	simm.s32 $0x900  }
0xe: {  	vm0 =	vmmov $0xffff;
	v1 =	vshrl.u32 v2, $0x3;
	s7 =	sadd.s32 s7, s4;
	s4 =	sadd.s32 s5, s6;
	s6 =	smax.u32 s8, $0x1  }
0xf: {  	v0 =	vand.u32 $0x7, v2;
	v2 =	vor.u32 $0x8, v2;
	v1 =	vmul.u32 $0x8, v1;
	s8 =	simm.s32 $0x100;
	s5 =	sadd.s32 $0xC49800, s7;
	s7 =	simm.s32 $0x2  }
.LBB2_1:
0x10: {  	[tilespmem:s2], [sflag:$0x2] =	stream.linear.gather [hbm4b:s4+s2], $0xA0, $0x38;
	[tilespmem:$0xA100] =	vst v63  }
0x11: {  	_ =	swait.ge [sflag:s7], $0xA0  }
0x12: {  	[sflag:s7] =	ssyncset.done $0x0  }
0x13: {  	[sflag:s7] =	ssyncadd.s32 $0xFFFFFF60  }
0x14: {  	v3 =	vld [tilespmem:$0x0];
	_ =	sdelay $0x4  }
0x15: {  	v4 =	vshll.u32 v3, $0x1  }
0x16: {  	v3 =	vand.u32 $0x7, v3;
	v4 =	vand.u32 $0xFFFFFFF0, v4  }
0x17: {  	v3 =	vor.u32 v3, v4  }
0x18: {  	v4 =	vperm.xlane v3, v0;
	_ =	sdelay $0x1  }
0x19: {  	v3 =	vperm.xlane v3, v2;
	v4 =	vadd.s32 v1, v4;
	_ =	sdelay $0x1  }
0x1a: {  	v3 =	vadd.s32 v1, v3;
	_ =	sdelay $0x2  }
0x1b: {  	[tilespmem:s8], [sflag:$0x1] =	stream.indirect_vreg.gather [hbm4b:s3+s2], $0x80, v4, vm0, $0xb8;
	[tilespmem:$0xA100] =	vst v63  }
0x1c: {  	_ = 	snop  }
0x1d: {  	[tilespmem:s9], [sflag:$0x1] =	stream.indirect_vreg.gather [hbm4b:s3+s2], $0x80, v3, vm0, $0xb8;
	[tilespmem:$0xA100] =	vst v63  }
0x1e: {  	v3 =	vld [tilespmem:$0x10];
	_ =	sdelay $0x4  }
0x1f: {  	v55 =	vshll.u32 v3, $0x1  }
0x20: {  	v3 =	vand.u32 $0x7, v3;
	v4 =	vand.u32 $0xFFFFFFF0, v55  }
0x21: {  	v3 =	vor.u32 v3, v4  }
0x22: {  	v4 =	vperm.xlane v3, v0;
	_ =	sdelay $0x1  }
0x23: {  	v3 =	vperm.xlane v3, v2;
	v4 =	vadd.s32 v1, v4;
	_ =	sdelay $0x1  }
0x24: {  	v3 =	vadd.s32 v1, v3;
	_ =	sdelay $0x2  }
0x25: {  	[tilespmem:s10], [sflag:$0x1] =	stream.indirect_vreg.gather [hbm4b:s3+s2], $0x80, v4, vm0, $0xb8;
	[tilespmem:$0xA100] =	vst v63  }
0x26: {  	_ = 	snop  }
0x27: {  	[tilespmem:s11], [sflag:$0x1] =	stream.indirect_vreg.gather [hbm4b:s3+s2], $0x80, v3, vm0, $0xb8;
	[tilespmem:$0xA100] =	vst v63  }
0x28: {  	v3 =	vld [tilespmem:$0x20];
	_ =	sdelay $0x4  }
0x29: {  	v56 =	vshll.u32 v3, $0x1  }
0x2a: {  	v3 =	vand.u32 $0x7, v3;
	v4 =	vand.u32 $0xFFFFFFF0, v56  }
0x2b: {  	v3 =	vor.u32 v3, v4  }
0x2c: {  	v4 =	vperm.xlane v3, v0;
	_ =	sdelay $0x1  }
0x2d: {  	v3 =	vperm.xlane v3, v2;
	v4 =	vadd.s32 v1, v4;
	_ =	sdelay $0x1  }
0x2e: {  	v3 =	vadd.s32 v1, v3;
	_ =	sdelay $0x2  }
0x2f: {  	[tilespmem:s12], [sflag:$0x1] =	stream.indirect_vreg.gather [hbm4b:s3+s2], $0x80, v4, vm0, $0xb8;
	[tilespmem:$0xA100] =	vst v63  }
0x30: {  	_ = 	snop  }
0x31: {  	[tilespmem:s13], [sflag:$0x1] =	stream.indirect_vreg.gather [hbm4b:s3+s2], $0x80, v3, vm0, $0xb8;
	[tilespmem:$0xA100] =	vst v63  }
0x32: {  	v3 =	vld [tilespmem:$0x30];
	_ =	sdelay $0x4  }
0x33: {  	v57 =	vshll.u32 v3, $0x1  }
0x34: {  	v3 =	vand.u32 $0x7, v3;
	v4 =	vand.u32 $0xFFFFFFF0, v57  }
0x35: {  	v3 =	vor.u32 v3, v4  }
0x36: {  	v4 =	vperm.xlane v3, v0;
	_ =	sdelay $0x1  }
0x37: {  	v3 =	vperm.xlane v3, v2;
	v4 =	vadd.s32 v1, v4;
	_ =	sdelay $0x1  }
0x38: {  	v3 =	vadd.s32 v1, v3;
	_ =	sdelay $0x2  }
0x39: {  	[tilespmem:s14], [sflag:$0x1] =	stream.indirect_vreg.gather [hbm4b:s3+s2], $0x80, v4, vm0, $0xb8;
	[tilespmem:$0xA100] =	vst v63  }
0x3a: {  	_ = 	snop  }
0x3b: {  	[tilespmem:s15], [sflag:$0x1] =	stream.indirect_vreg.gather [hbm4b:s3+s2], $0x80, v3, vm0, $0xb8;
	[tilespmem:$0xA100] =	vst v63  }
0x3c: {  	v3 =	vld [tilespmem:$0x40];
	_ =	sdelay $0x4  }
0x3d: {  	v58 =	vshll.u32 v3, $0x1  }
0x3e: {  	v3 =	vand.u32 $0x7, v3;
	v4 =	vand.u32 $0xFFFFFFF0, v58  }
0x3f: {  	v3 =	vor.u32 v3, v4  }
0x40: {  	v4 =	vperm.xlane v3, v0;
	_ =	sdelay $0x1  }
0x41: {  	v3 =	vperm.xlane v3, v2;
	v4 =	vadd.s32 v1, v4;
	_ =	sdelay $0x1  }
0x42: {  	v3 =	vadd.s32 v1, v3;
	_ =	sdelay $0x2  }
0x43: {  	[tilespmem:s16], [sflag:$0x1] =	stream.indirect_vreg.gather [hbm4b:s3+s2], $0x80, v4, vm0, $0xb8;
	[tilespmem:$0xA100] =	vst v63  }
0x44: {  	_ = 	snop  }
0x45: {  	[tilespmem:s17], [sflag:$0x1] =	stream.indirect_vreg.gather [hbm4b:s3+s2], $0x80, v3, vm0, $0xb8;
	[tilespmem:$0xA100] =	vst v63  }
0x46: {  	v3 =	vld [tilespmem:$0x50];
	_ =	sdelay $0x4  }
0x47: {  	v59 =	vshll.u32 v3, $0x1  }
0x48: {  	v3 =	vand.u32 $0x7, v3;
	v4 =	vand.u32 $0xFFFFFFF0, v59  }
0x49: {  	v3 =	vor.u32 v3, v4  }
0x4a: {  	v4 =	vperm.xlane v3, v0;
	_ =	sdelay $0x1  }
0x4b: {  	v3 =	vperm.xlane v3, v2;
	v4 =	vadd.s32 v1, v4;
	_ =	sdelay $0x1  }
0x4c: {  	v3 =	vadd.s32 v1, v3;
	_ =	sdelay $0x2  }
0x4d: {  	[tilespmem:s18], [sflag:$0x1] =	stream.indirect_vreg.gather [hbm4b:s3+s2], $0x80, v4, vm0, $0xb8;
	[tilespmem:$0xA100] =	vst v63  }
0x4e: {  	_ = 	snop  }
0x4f: {  	[tilespmem:s19], [sflag:$0x1] =	stream.indirect_vreg.gather [hbm4b:s3+s2], $0x80, v3, vm0, $0xb8;
	[tilespmem:$0xA100] =	vst v63  }
0x50: {  	v3 =	vld [tilespmem:$0x60];
	_ =	sdelay $0x4  }
0x51: {  	v60 =	vshll.u32 v3, $0x1  }
0x52: {  	v3 =	vand.u32 $0x7, v3;
	v4 =	vand.u32 $0xFFFFFFF0, v60  }
0x53: {  	v3 =	vor.u32 v3, v4  }
0x54: {  	v4 =	vperm.xlane v3, v0;
	_ =	sdelay $0x1  }
0x55: {  	v3 =	vperm.xlane v3, v2;
	v4 =	vadd.s32 v1, v4;
	_ =	sdelay $0x1  }
0x56: {  	v3 =	vadd.s32 v1, v3;
	_ =	sdelay $0x2  }
0x57: {  	[tilespmem:s20], [sflag:$0x1] =	stream.indirect_vreg.gather [hbm4b:s3+s2], $0x80, v4, vm0, $0xb8;
	[tilespmem:$0xA100] =	vst v63  }
0x58: {  	_ = 	snop  }
0x59: {  	[tilespmem:s21], [sflag:$0x1] =	stream.indirect_vreg.gather [hbm4b:s3+s2], $0x80, v3, vm0, $0xb8;
	[tilespmem:$0xA100] =	vst v63  }
0x5a: {  	v3 =	vld [tilespmem:$0x70];
	_ =	sdelay $0x4  }
0x5b: {  	v61 =	vshll.u32 v3, $0x1  }
0x5c: {  	v3 =	vand.u32 $0x7, v3;
	v4 =	vand.u32 $0xFFFFFFF0, v61  }
0x5d: {  	v3 =	vor.u32 v3, v4  }
0x5e: {  	v4 =	vperm.xlane v3, v0;
	_ =	sdelay $0x1  }
0x5f: {  	v3 =	vperm.xlane v3, v2;
	v4 =	vadd.s32 v1, v4;
	_ =	sdelay $0x1  }
0x60: {  	v3 =	vadd.s32 v1, v3;
	_ =	sdelay $0x2  }
0x61: {  	[tilespmem:s22], [sflag:$0x1] =	stream.indirect_vreg.gather [hbm4b:s3+s2], $0x80, v4, vm0, $0xb8;
	[tilespmem:$0xA100] =	vst v63  }
0x62: {  	_ = 	snop  }
0x63: {  	[tilespmem:s23], [sflag:$0x1] =	stream.indirect_vreg.gather [hbm4b:s3+s2], $0x80, v3, vm0, $0xb8;
	[tilespmem:$0xA100] =	vst v63  }
0x64: {  	v3 =	vld [tilespmem:$0x80];
	_ =	sdelay $0x4  }
0x65: {  	v62 =	vshll.u32 v3, $0x1  }
0x66: {  	v3 =	vand.u32 $0x7, v3;
	v4 =	vand.u32 $0xFFFFFFF0, v62  }
0x67: {  	v3 =	vor.u32 v3, v4  }
0x68: {  	v4 =	vperm.xlane v3, v0;
	_ =	sdelay $0x1  }
0x69: {  	v3 =	vperm.xlane v3, v2;
	v4 =	vadd.s32 v1, v4;
	_ =	sdelay $0x1  }
0x6a: {  	v3 =	vadd.s32 v1, v3;
	_ =	sdelay $0x2  }
0x6b: {  	[tilespmem:s24], [sflag:$0x1] =	stream.indirect_vreg.gather [hbm4b:s3+s2], $0x80, v4, vm0, $0xb8;
	[tilespmem:$0xA100] =	vst v63  }
0x6c: {  	_ = 	snop  }
0x6d: {  	[tilespmem:s25], [sflag:$0x1] =	stream.indirect_vreg.gather [hbm4b:s3+s2], $0x80, v3, vm0, $0xb8;
	[tilespmem:$0xA100] =	vst v63  }
0x6e: {  	v3 =	vld [tilespmem:$0x90];
	_ =	sdelay $0x4  }
0x6f: {  	v63 =	vshll.u32 v3, $0x1  }
0x70: {  	v3 =	vand.u32 $0x7, v3;
	v4 =	vand.u32 $0xFFFFFFF0, v63  }
0x71: {  	v3 =	vor.u32 v3, v4  }
0x72: {  	v4 =	vperm.xlane v3, v0;
	_ =	sdelay $0x1  }
0x73: {  	v3 =	vperm.xlane v3, v2;
	v4 =	vadd.s32 v1, v4;
	_ =	sdelay $0x1  }
0x74: {  	v3 =	vadd.s32 v1, v3;
	_ =	sdelay $0x2  }
0x75: {  	[tilespmem:s26], [sflag:$0x1] =	stream.indirect_vreg.gather [hbm4b:s3+s2], $0x80, v4, vm0, $0xb8;
	[tilespmem:$0xA100] =	vst v63  }
0x76: {  	_ = 	snop  }
0x77: {  	[tilespmem:s28], [sflag:$0x1] =	stream.indirect_vreg.gather [hbm4b:s3+s2], $0x80, v3, vm0, $0xb8;
	[tilespmem:$0xA100] =	vst v63  }
0x78: {  	_ =	swait.ge [sflag:s29], $0xA000  }
0x79: {  	p0 =	sne.s32 s6, $0x1;
	[sflag:s29] =	ssyncset.done $0x0  }
.Ltmp0:
0x7a: {  	[sflag:s29] =	ssyncadd.s32 $0xFFFF6000;
	(pc) =	sbr.rel @p0 .LBB2_1-.Ltmp0, $4  }
0x7b: {  	[hbm4b:s5+s2] =	stream.linear.scatter [tilespmem:s8], [sflag:$0x2], $0xA000, $0x38;
	[tilespmem:$0xA100] =	vst v63  }
0x7c: {  	_ =	swait.ge [sflag:s7], $0xA000  }
0x7d: {  	[sflag:s7] =	ssyncset.done $0x0  }
0x7e: {  	s6 =	sadd.s32 $0xFFFFFFFF, s6;
	[sflag:s7] =	ssyncadd.s32 $0xFFFF6000  }
0x7f: {  	_ =	sfence.sel $0x180000  }
0x80: {  	[bflag:$0x0] =	sbarrier.arrive $0xFFFF  }
0x81: {  	p0 =	sne.s32 s0, $0x0;
	_ =	strace $0x90000047  }
0x82: {  	s0 =	sadd.s32 @!p0 $0x100000, s1;
	[bflag:$0x2] =	sbarrier.arrive $0xFFFF  }
0x83: {  	[sflag:s0] =	ssyncadd.tile.s32 @!p0 $0x1;
	_ =	shalt  }
.Lfunc_end2:
_tile_overlayer_lowered:
.L_overlay_start_2:
0x84: {  	(tag) =	ssettag $0x2  }
0x85: {  	s0 =	rddreg [dreg:$0x0];
	s2 =	stileid.u32  }
0x86: {  	s1 =	rddreg [dreg:$0x1];
	p0 =	sne.s32 s2, $0x0  }
0x87: {  	s3 =	rddreg [dreg:$0x2];
	[bflag:$0x3] =	sbarrier.arrive $0xFFFF;
	s2 =	simm.s32 @!p0 $0x1C02  }
0x88: {  	[timem:s3], [sflag:s2] =	dma.local @!p0 [hbm:s0], s1  }
0x89: {  	s0 =	simm.s32 @!p0 $0x2  }
0x8a: {  	_ =	swait.ge @!p0 [sflag:s0], s1  }
0x8b: {  	s1 =	ssub.s32 @!p0 $0x0, s1;
	[sflag:s0] =	ssyncset.done @!p0 $0x0  }
0x8c: {  	[sflag:s0] =	ssyncadd.s32 @!p0 s1  }
0x8d: {  	[bflag:$0x3] =	sbarrier.arrive $0xFFFF  }
0x8e: {  	_ =	shalt  }

</sc_bundles>
